<compile_context>
chip_gen: v7x
topology: tpu7x:2x2x1
jax: 0.10.2.dev20260603
libtpu: 0.0.44.dev20260713+nightly
codegen_flags: <defaults>
</compile_context>

<pallas_src>
import functools

import jax
import jax.numpy as jnp
from jax import lax
from jax.experimental import pallas as pl
from jax.experimental.pallas import tpu as pltpu
from jax.experimental.pallas import tpu_sc as plsc

_N = 10000
_E = 320000
_H = 64
_G = 64

_NC = 2
_NS = 16
_NW = _NC * _NS
_C = 200
_NCHUNK = _E // _C
_K = _NCHUNK // _NW
_N_PAD = 10112
_ZR = _N_PAD // _NS

_sc_mesh = plsc.VectorSubcoreMesh(core_axis_name="c", subcore_axis_name="s")


@functools.partial(
    pl.kernel,
    mesh=_sc_mesh,
    compiler_params=pltpu.CompilerParams(use_tc_tiling_on_sc=False),
    out_type=jax.ShapeDtypeStruct((_NC, _N_PAD, _H), jnp.float32),
    scratch_types=[
        pltpu.VMEM_SHARED((_N_PAD, _H), jnp.float32),
        pltpu.VMEM_SHARED((_N_PAD, _H), jnp.float32),
        pltpu.VMEM((_K, _C), jnp.int32),
        pltpu.VMEM((_K, _C), jnp.int32),
        pltpu.VMEM((2, _C, _H), jnp.float32),
        pltpu.SemaphoreType.DMA,
        pltpu.SemaphoreType.DMA,
    ],
)
def _sc_agg(h_hbm, src_hbm, dst_hbm, zeros_hbm, out_hbm,
            acc, h_s, src_v, dst_v, rows, sem, sem_st):
    cid = lax.axis_index("c")
    sid = lax.axis_index("s")
    wid = sid * _NC + cid

    pltpu.sync_copy(src_hbm.at[pl.ds(wid * _K, _K)], src_v)
    pltpu.sync_copy(dst_hbm.at[pl.ds(wid * _K, _K)], dst_v)
    _LAST = _N - (_NS - 1) * _ZR

    @pl.when(sid < _NS - 1)
    def _():
        pltpu.async_copy(h_hbm.at[pl.ds(sid * _ZR, _ZR)],
                         h_s.at[pl.ds(sid * _ZR, _ZR)], sem_st)

    @pl.when(sid == _NS - 1)
    def _():
        pltpu.async_copy(h_hbm.at[pl.ds((_NS - 1) * _ZR, _LAST)],
                         h_s.at[pl.ds((_NS - 1) * _ZR, _LAST)], sem_st)

    pltpu.async_copy(zeros_hbm.at[pl.ds(sid * _ZR, _ZR)],
                     acc.at[pl.ds(sid * _ZR, _ZR)], sem_st)

    @pl.when(sid < _NS - 1)
    def _():
        pltpu.make_async_copy(h_hbm.at[pl.ds(0, _ZR)],
                              h_s.at[pl.ds(0, _ZR)], sem_st).wait()

    @pl.when(sid == _NS - 1)
    def _():
        pltpu.make_async_copy(h_hbm.at[pl.ds(0, _LAST)],
                              h_s.at[pl.ds(0, _LAST)], sem_st).wait()

    pltpu.make_async_copy(zeros_hbm.at[pl.ds(0, _ZR)],
                          acc.at[pl.ds(0, _ZR)], sem_st).wait()
    plsc.subcore_barrier()

    pltpu.async_copy(h_s.at[src_v.at[0]], rows.at[0], sem)

    def body(j, carry):
        p = lax.rem(j, 2)

        @pl.when(j + 1 < _K)
        def _():
            pltpu.async_copy(h_s.at[src_v.at[j + 1]], rows.at[1 - p], sem)

        pltpu.make_async_copy(h_hbm.at[pl.ds(0, _C)], rows.at[p], sem).wait()
        pltpu.sync_copy(rows.at[p], acc.at[dst_v.at[j]], add=True)
        return carry

    lax.fori_loop(0, _K, body, 0)
    plsc.subcore_barrier()
    pltpu.sync_copy(acc.at[pl.ds(sid * _ZR, _ZR)],
                    out_hbm.at[cid, pl.ds(sid * _ZR, _ZR)])


def _tc_in(x_ref, w_ref, b_ref, o_ref):
    o_ref[...] = jnp.maximum(
        jnp.dot(x_ref[...], w_ref[...], preferred_element_type=jnp.float32)
        + b_ref[...], 0.0)


def _tc_mlp(h_ref, agg_ref, w1_ref, b1_ref, w2_ref, b2_ref, o_ref):
    z = h_ref[...] + agg_ref[0, :_N] + agg_ref[1, :_N]
    z = jnp.maximum(
        jnp.dot(z, w1_ref[...], preferred_element_type=jnp.float32)
        + b1_ref[...], 0.0)
    z = jnp.dot(z, w2_ref[...], preferred_element_type=jnp.float32) + b2_ref[...]
    o_ref[...] = jnp.maximum(z, 0.0)


def _tc_tail(h_ref, agg_ref, batch_ref, w1_ref, b1_ref, w2_ref, b2_ref,
             wo_ref, bo_ref, hg_ref, pred_ref):
    z = h_ref[...] + agg_ref[0, :_N] + agg_ref[1, :_N]
    z = jnp.maximum(
        jnp.dot(z, w1_ref[...], preferred_element_type=jnp.float32)
        + b1_ref[...], 0.0)
    z = jnp.dot(z, w2_ref[...], preferred_element_type=jnp.float32) + b2_ref[...]
    h2 = jnp.maximum(z, 0.0)
    onehot = (batch_ref[...] ==
              lax.broadcasted_iota(jnp.int32, (_N, _G), 1)).astype(jnp.float32)
    sums = lax.dot_general(onehot, h2, (((0,), (0,)), ((), ())),
                           preferred_element_type=jnp.float32)
    counts = jnp.sum(onehot, axis=0)
    hg = sums / jnp.maximum(counts, 1.0)[:, None]
    hg_ref[...] = hg
    pred_ref[...] = (
        jnp.dot(hg, wo_ref[...], preferred_element_type=jnp.float32)
        + bo_ref[...])


def kernel(x, edge_index, batch, W_in, b_in, W1_0, b1_0, W2_0, b2_0,
           W1_1, b1_1, W2_1, b2_1, W_exp, b_exp, W_aux, b_aux):
    f32 = jnp.float32
    src_p = edge_index[0].reshape(_NCHUNK, _C)
    dst_p = edge_index[1].reshape(_NCHUNK, _C)
    zeros = jnp.zeros((_N_PAD, _H), f32)

    h0 = pl.pallas_call(
        _tc_in,
        out_shape=jax.ShapeDtypeStruct((_N, _H), f32),
    )(x, W_in, b_in.reshape(1, _H))

    agg0 = _sc_agg(h0, src_p, dst_p, zeros)

    h1 = pl.pallas_call(
        _tc_mlp,
        out_shape=jax.ShapeDtypeStruct((_N, _H), f32),
    )(h0, agg0, W1_0, b1_0.reshape(1, _H), W2_0, b2_0.reshape(1, _H))

    agg1 = _sc_agg(h1, src_p, dst_p, zeros)

    W_out = jnp.concatenate([W_exp, W_aux], axis=1)
    b_out = jnp.concatenate([b_exp, b_aux]).reshape(1, 5)
    hg, preds = pl.pallas_call(
        _tc_tail,
        out_shape=(jax.ShapeDtypeStruct((_G, _H), f32),
                   jax.ShapeDtypeStruct((_G, 5), f32)),
    )(h1, agg1, batch.reshape(_N, 1), W1_1, b1_1.reshape(1, _H),
      W2_1, b2_1.reshape(1, _H), W_out, b_out)

    return (hg, preds[:, 0:1], preds[:, 1:5])

# --- scband reference (transcript-rebuilt; emitter-appended) ---
"""Pipeline reference for scband-multi-task-complex-gnn-51943334478500 (READ-ONLY COPY).

The authoritative reference and input builder live on the scoring server;
editing this copy changes nothing except your own understanding.
"""

import jax, jax.numpy as jnp
import numpy as np

N = 10000
E = 320000
D_IN = 128
H = 64
G = 64


def setup_inputs(seed: int = 0) -> dict:
    key = jax.random.key(seed)
    ks = jax.random.split(key, 20)
    x = jax.random.normal(ks[0], (N, D_IN), dtype=jnp.float32)
    edge_index = jax.random.randint(ks[1], (2, E), 0, N, dtype=jnp.int32)
    batch = jnp.sort(jax.random.randint(ks[2], (N,), 0, G, dtype=jnp.int32))
    s_in = 1.0 / np.sqrt(D_IN)
    s_h = 1.0 / np.sqrt(H)
    inp = {
        "x": x,
        "edge_index": edge_index,
        "batch": batch,
        "W_in": jax.random.uniform(ks[3], (D_IN, H), jnp.float32, -s_in, s_in),
        "b_in": jax.random.uniform(ks[4], (H,), jnp.float32, -s_in, s_in),
        "W1_0": jax.random.uniform(ks[5], (H, H), jnp.float32, -s_h, s_h),
        "b1_0": jax.random.uniform(ks[6], (H,), jnp.float32, -s_h, s_h),
        "W2_0": jax.random.uniform(ks[7], (H, H), jnp.float32, -s_h, s_h),
        "b2_0": jax.random.uniform(ks[8], (H,), jnp.float32, -s_h, s_h),
        "W1_1": jax.random.uniform(ks[9], (H, H), jnp.float32, -s_h, s_h),
        "b1_1": jax.random.uniform(ks[10], (H,), jnp.float32, -s_h, s_h),
        "W2_1": jax.random.uniform(ks[11], (H, H), jnp.float32, -s_h, s_h),
        "b2_1": jax.random.uniform(ks[12], (H,), jnp.float32, -s_h, s_h),
        "W_exp": jax.random.uniform(ks[13], (H, 1), jnp.float32, -s_h, s_h),
        "b_exp": jax.random.uniform(ks[14], (1,), jnp.float32, -s_h, s_h),
        "W_aux": jax.random.uniform(ks[15], (H, 4), jnp.float32, -s_h, s_h),
        "b_aux": jax.random.uniform(ks[16], (4,), jnp.float32, -s_h, s_h),
    }
    return inp


def _gin_conv(h, edge_index, W1, b1, W2, b2):
    # GINConv with eps=0 (PyG default, train_eps=False):
    # out = MLP((1+eps)*h_i + sum_{j->i} h_j)
    src = edge_index[0]
    dst = edge_index[1]
    msgs = jnp.take(h, src, axis=0)                      # gather (SparseCore)
    agg = jax.ops.segment_sum(msgs, dst, num_segments=N)  # scatter-add
    z = h + agg
    z = jnp.maximum(z @ W1 + b1, 0.0) @ W2 + b2
    return z


def reference(x, edge_index, batch, W_in, b_in, W1_0, b1_0, W2_0, b2_0,
              W1_1, b1_1, W2_1, b2_1, W_exp, b_exp, W_aux, b_aux):
    h = jnp.maximum(x @ W_in + b_in, 0.0)
    h = jnp.maximum(_gin_conv(h, edge_index, W1_0, b1_0, W2_0, b2_0), 0.0)
    # dropout p=0.0 -> identity in eval/training
    h = jnp.maximum(_gin_conv(h, edge_index, W1_1, b1_1, W2_1, b2_1), 0.0)
    # global_mean_pool over graphs
    sums = jax.ops.segment_sum(h, batch, num_segments=G)
    counts = jax.ops.segment_sum(jnp.ones((N,), jnp.float32), batch, num_segments=G)
    h_graph = sums / jnp.clip(counts, 1.0)[:, None]
    pred_exp = h_graph @ W_exp + b_exp
    pred_aux = h_graph @ W_aux + b_aux
    return (h_graph, pred_exp, pred_aux)

if __name__ == "__main__":
    import jax
    _d = setup_inputs()
    print(jax.jit(kernel)(*tuple(_d.values())))

</pallas_src>

<mosaic_0001>
#map = affine_map<(d0, d1) -> (0, 0)>
#map1 = affine_map<(d0, d1) -> (0, 0, 0)>
module attributes {stable_mosaic.version = 14 : i64} {
  func.func @_sc_agg(%arg0: i32, %arg1: i32, %arg2: memref<10000x64xf32, #tpu.memory_space<hbm>>, %arg3: memref<1600x200xi32, #tpu.memory_space<hbm>>, %arg4: memref<1600x200xi32, #tpu.memory_space<hbm>>, %arg5: memref<10112x64xf32, #tpu.memory_space<hbm>>, %arg6: memref<2x10112x64xf32, #tpu.memory_space<hbm>>, %arg7: memref<10112x64xf32, #tpu.memory_space<vmem_shared>>, %arg8: memref<10112x64xf32, #tpu.memory_space<vmem_shared>>, %arg9: memref<50x200xi32, #tpu.memory_space<vmem>>, %arg10: memref<50x200xi32, #tpu.memory_space<vmem>>, %arg11: memref<2x200x64xf32, #tpu.memory_space<vmem>>, %arg12: memref<!tpu.dma_semaphore, #tpu.memory_space<semaphore_mem>>, %arg13: memref<!tpu.dma_semaphore, #tpu.memory_space<semaphore_mem>>) attributes {dimension_semantics = [#tpu.dimension_semantics<core_parallel>, #tpu.dimension_semantics<subcore_parallel>], iteration_bounds = array<i64: 2, 16>, scalar_prefetch = 0 : i64, scratch_operands = 7 : i64, tpu.core_type = #tpu.core_type<sc_vector_subcore>, window_params = [{transform_indices = #map}, {transform_indices = #map}, {transform_indices = #map}, {transform_indices = #map}, {transform_indices = #map1}]} {
    %mul3A = arith.constant 2 : i32
    %mul3A_0 = arith.muli %arg1, %mul3A : i32
    %add3A = arith.addi %mul3A_0, %arg0 : i32
    %mul3A_1 = arith.constant 50 : i32
    %mul3A_2 = arith.muli %add3A, %mul3A_1 : i32
    "tpu.region"() ({
      %run_scoped3A = tpu.sem_alloc : memref<!tpu.dma_semaphore, #tpu.memory_space<semaphore_mem>>
      %dma_start3A_55 = arith.constant 0 : i32
      %dma_start3A_56 = tpu.memref_slice %arg3[%mul3A_2, %dma_start3A_55] : memref<1600x200xi32, #tpu.memory_space<hbm>> -> memref<50x200xi32, #tpu.memory_space<hbm>>
      %dma_start3A_57 = arith.constant 0 : i32
      %dma_start3A_58 = tpu.memref_slice %arg3[%mul3A_2, %dma_start3A_57] : memref<1600x200xi32, #tpu.memory_space<hbm>> -> memref<50x200xi32, #tpu.memory_space<hbm>>
      tpu.enqueue_dma source(%dma_start3A_58 : memref<50x200xi32, #tpu.memory_space<hbm>>) target(%arg9 : memref<50x200xi32, #tpu.memory_space<vmem>>) target_semaphore(%run_scoped3A : memref<!tpu.dma_semaphore, #tpu.memory_space<semaphore_mem>>)
      %dma_wait3A_59 = arith.constant 0 : i32
      %dma_wait3A_60 = tpu.memref_slice %arg3[%mul3A_2, %dma_wait3A_59] : memref<1600x200xi32, #tpu.memory_space<hbm>> -> memref<50x200xi32, #tpu.memory_space<hbm>>
      %dma_wait3A_61 = arith.constant 0 : i32
      %dma_wait3A_62 = tpu.memref_slice %arg3[%mul3A_2, %dma_wait3A_61] : memref<1600x200xi32, #tpu.memory_space<hbm>> -> memref<50x200xi32, #tpu.memory_space<hbm>>
      tpu.wait_dma2 semaphore(%run_scoped3A : memref<!tpu.dma_semaphore, #tpu.memory_space<semaphore_mem>>) src(%dma_wait3A_62 : memref<50x200xi32, #tpu.memory_space<hbm>>) dst(%arg9 : memref<50x200xi32, #tpu.memory_space<vmem>>)
      tpu.yield
    }) : () -> ()
    %mul3A_3 = arith.constant 50 : i32
    %mul3A_4 = arith.muli %add3A, %mul3A_3 : i32
    "tpu.region"() ({
      %run_scoped3A = tpu.sem_alloc : memref<!tpu.dma_semaphore, #tpu.memory_space<semaphore_mem>>
      %dma_start3A_55 = arith.constant 0 : i32
      %dma_start3A_56 = tpu.memref_slice %arg4[%mul3A_4, %dma_start3A_55] : memref<1600x200xi32, #tpu.memory_space<hbm>> -> memref<50x200xi32, #tpu.memory_space<hbm>>
      %dma_start3A_57 = arith.constant 0 : i32
      %dma_start3A_58 = tpu.memref_slice %arg4[%mul3A_4, %dma_start3A_57] : memref<1600x200xi32, #tpu.memory_space<hbm>> -> memref<50x200xi32, #tpu.memory_space<hbm>>
      tpu.enqueue_dma source(%dma_start3A_58 : memref<50x200xi32, #tpu.memory_space<hbm>>) target(%arg10 : memref<50x200xi32, #tpu.memory_space<vmem>>) target_semaphore(%run_scoped3A : memref<!tpu.dma_semaphore, #tpu.memory_space<semaphore_mem>>)
      %dma_wait3A_59 = arith.constant 0 : i32
      %dma_wait3A_60 = tpu.memref_slice %arg4[%mul3A_4, %dma_wait3A_59] : memref<1600x200xi32, #tpu.memory_space<hbm>> -> memref<50x200xi32, #tpu.memory_space<hbm>>
      %dma_wait3A_61 = arith.constant 0 : i32
      %dma_wait3A_62 = tpu.memref_slice %arg4[%mul3A_4, %dma_wait3A_61] : memref<1600x200xi32, #tpu.memory_space<hbm>> -> memref<50x200xi32, #tpu.memory_space<hbm>>
      tpu.wait_dma2 semaphore(%run_scoped3A : memref<!tpu.dma_semaphore, #tpu.memory_space<semaphore_mem>>) src(%dma_wait3A_62 : memref<50x200xi32, #tpu.memory_space<hbm>>) dst(%arg10 : memref<50x200xi32, #tpu.memory_space<vmem>>)
      tpu.yield
    }) : () -> ()
    %lt3A = arith.constant 15 : i32
    %lt3A_5 = arith.cmpi slt, %arg1, %lt3A : i32
    %convert_element_type3A = arith.extui %lt3A_5 : i1 to i32
    %cond3A = arith.constant 0 : i32
    %cond3A_6 = arith.cmpi ne, %convert_element_type3A, %cond3A : i32
    scf.if %cond3A_6 {
      %mul3A_55 = arith.constant 632 : i32
      %mul3A_56 = arith.muli %arg1, %mul3A_55 : i32
      %mul3A_57 = arith.constant 632 : i32
      %mul3A_58 = arith.muli %arg1, %mul3A_57 : i32
      %dma_start3A_59 = arith.constant 0 : i32
      %dma_start3A_60 = tpu.memref_slice %arg8[%mul3A_58, %dma_start3A_59] : memref<10112x64xf32, #tpu.memory_space<vmem_shared>> -> memref<632x64xf32, #tpu.memory_space<vmem_shared>>
      %dma_start3A_61 = arith.constant 0 : i32
      %dma_start3A_62 = tpu.memref_slice %arg2[%mul3A_56, %dma_start3A_61] : memref<10000x64xf32, #tpu.memory_space<hbm>> -> memref<632x64xf32, #tpu.memory_space<hbm>>
      tpu.enqueue_dma source(%dma_start3A_62 : memref<632x64xf32, #tpu.memory_space<hbm>>) target(%dma_start3A_60 : memref<632x64xf32, #tpu.memory_space<vmem_shared>>) target_semaphore(%arg13 : memref<!tpu.dma_semaphore, #tpu.memory_space<semaphore_mem>>)
    } else {
    }
    %eq3A = arith.constant 15 : i32
    %eq3A_7 = arith.cmpi eq, %arg1, %eq3A : i32
    %convert_element_type3A_8 = arith.extui %eq3A_7 : i1 to i32
    %cond3A_9 = arith.constant 0 : i32
    %cond3A_10 = arith.cmpi ne, %convert_element_type3A_8, %cond3A_9 : i32
    scf.if %cond3A_10 {
      %dma_start3A_55 = arith.constant 9480 : i32
      %dma_start3A_56 = arith.constant 0 : i32
      %dma_start3A_57 = tpu.memref_slice %arg8[%dma_start3A_55, %dma_start3A_56] : memref<10112x64xf32, #tpu.memory_space<vmem_shared>> -> memref<520x64xf32, #tpu.memory_space<vmem_shared>>
      %dma_start3A_58 = arith.constant 9480 : i32
      %dma_start3A_59 = arith.constant 0 : i32
      %dma_start3A_60 = tpu.memref_slice %arg2[%dma_start3A_58, %dma_start3A_59] : memref<10000x64xf32, #tpu.memory_space<hbm>> -> memref<520x64xf32, #tpu.memory_space<hbm>>
      tpu.enqueue_dma source(%dma_start3A_60 : memref<520x64xf32, #tpu.memory_space<hbm>>) target(%dma_start3A_57 : memref<520x64xf32, #tpu.memory_space<vmem_shared>>) target_semaphore(%arg13 : memref<!tpu.dma_semaphore, #tpu.memory_space<semaphore_mem>>)
    } else {
    }
    %mul3A_11 = arith.constant 632 : i32
    %mul3A_12 = arith.muli %arg1, %mul3A_11 : i32
    %mul3A_13 = arith.constant 632 : i32
    %mul3A_14 = arith.muli %arg1, %mul3A_13 : i32
    %dma_start3A = arith.constant 0 : i32
    %dma_start3A_15 = tpu.memref_slice %arg7[%mul3A_14, %dma_start3A] : memref<10112x64xf32, #tpu.memory_space<vmem_shared>> -> memref<632x64xf32, #tpu.memory_space<vmem_shared>>
    %dma_start3A_16 = arith.constant 0 : i32
    %dma_start3A_17 = tpu.memref_slice %arg5[%mul3A_12, %dma_start3A_16] : memref<10112x64xf32, #tpu.memory_space<hbm>> -> memref<632x64xf32, #tpu.memory_space<hbm>>
    tpu.enqueue_dma source(%dma_start3A_17 : memref<632x64xf32, #tpu.memory_space<hbm>>) target(%dma_start3A_15 : memref<632x64xf32, #tpu.memory_space<vmem_shared>>) target_semaphore(%arg13 : memref<!tpu.dma_semaphore, #tpu.memory_space<semaphore_mem>>)
    %lt3A_18 = arith.constant 15 : i32
    %lt3A_19 = arith.cmpi slt, %arg1, %lt3A_18 : i32
    %convert_element_type3A_20 = arith.extui %lt3A_19 : i1 to i32
    %cond3A_21 = arith.constant 0 : i32
    %cond3A_22 = arith.cmpi ne, %convert_element_type3A_20, %cond3A_21 : i32
    scf.if %cond3A_22 {
      %dma_wait3A_55 = arith.constant 0 : i32
      %dma_wait3A_56 = arith.constant 0 : i32
      %dma_wait3A_57 = tpu.memref_slice %arg8[%dma_wait3A_55, %dma_wait3A_56] : memref<10112x64xf32, #tpu.memory_space<vmem_shared>> -> memref<632x64xf32, #tpu.memory_space<vmem_shared>>
      %dma_wait3A_58 = arith.constant 0 : i32
      %dma_wait3A_59 = arith.constant 0 : i32
      %dma_wait3A_60 = tpu.memref_slice %arg2[%dma_wait3A_58, %dma_wait3A_59] : memref<10000x64xf32, #tpu.memory_space<hbm>> -> memref<632x64xf32, #tpu.memory_space<hbm>>
      tpu.wait_dma2 semaphore(%arg13 : memref<!tpu.dma_semaphore, #tpu.memory_space<semaphore_mem>>) src(%dma_wait3A_60 : memref<632x64xf32, #tpu.memory_space<hbm>>) dst(%dma_wait3A_57 : memref<632x64xf32, #tpu.memory_space<vmem_shared>>)
    } else {
    }
    %eq3A_23 = arith.constant 15 : i32
    %eq3A_24 = arith.cmpi eq, %arg1, %eq3A_23 : i32
    %convert_element_type3A_25 = arith.extui %eq3A_24 : i1 to i32
    %cond3A_26 = arith.constant 0 : i32
    %cond3A_27 = arith.cmpi ne, %convert_element_type3A_25, %cond3A_26 : i32
    scf.if %cond3A_27 {
      %dma_wait3A_55 = arith.constant 0 : i32
      %dma_wait3A_56 = arith.constant 0 : i32
      %dma_wait3A_57 = tpu.memref_slice %arg8[%dma_wait3A_55, %dma_wait3A_56] : memref<10112x64xf32, #tpu.memory_space<vmem_shared>> -> memref<520x64xf32, #tpu.memory_space<vmem_shared>>
      %dma_wait3A_58 = arith.constant 0 : i32
      %dma_wait3A_59 = arith.constant 0 : i32
      %dma_wait3A_60 = tpu.memref_slice %arg2[%dma_wait3A_58, %dma_wait3A_59] : memref<10000x64xf32, #tpu.memory_space<hbm>> -> memref<520x64xf32, #tpu.memory_space<hbm>>
      tpu.wait_dma2 semaphore(%arg13 : memref<!tpu.dma_semaphore, #tpu.memory_space<semaphore_mem>>) src(%dma_wait3A_60 : memref<520x64xf32, #tpu.memory_space<hbm>>) dst(%dma_wait3A_57 : memref<520x64xf32, #tpu.memory_space<vmem_shared>>)
    } else {
    }
    %dma_wait3A = arith.constant 0 : i32
    %dma_wait3A_28 = arith.constant 0 : i32
    %dma_wait3A_29 = tpu.memref_slice %arg7[%dma_wait3A, %dma_wait3A_28] : memref<10112x64xf32, #tpu.memory_space<vmem_shared>> -> memref<632x64xf32, #tpu.memory_space<vmem_shared>>
    %dma_wait3A_30 = arith.constant 0 : i32
    %dma_wait3A_31 = arith.constant 0 : i32
    %dma_wait3A_32 = tpu.memref_slice %arg5[%dma_wait3A_30, %dma_wait3A_31] : memref<10112x64xf32, #tpu.memory_space<hbm>> -> memref<632x64xf32, #tpu.memory_space<hbm>>
    tpu.wait_dma2 semaphore(%arg13 : memref<!tpu.dma_semaphore, #tpu.memory_space<semaphore_mem>>) src(%dma_wait3A_32 : memref<632x64xf32, #tpu.memory_space<hbm>>) dst(%dma_wait3A_29 : memref<632x64xf32, #tpu.memory_space<vmem_shared>>)
    %barrier3A = arith.constant 0 : index
    tpu.barrier barrier_id(%barrier3A)
    %dma_start3A_33 = arith.constant 0 : i32
    %dma_start3A_34 = arith.constant 0 : i32
    %dma_start3A_35 = arith.constant 0 : i32
    %dma_start3A_36 = arith.constant 0 : i32
    %dma_start3A_37 = tpu.memref_slice %arg11[%dma_start3A_34, %dma_start3A_35, %dma_start3A_36] : memref<2x200x64xf32, #tpu.memory_space<vmem>> -> memref<1x200x64xf32, #tpu.memory_space<vmem>>
    %dma_start3A_38 = tpu.memref_squeeze %dma_start3A_37 : memref<1x200x64xf32, #tpu.memory_space<vmem>> -> memref<200x64xf32, #tpu.memory_space<vmem>>
    %dma_start3A_39 = arith.constant 0 : i32
    %dma_start3A_40 = tpu.memref_slice %arg9[%dma_start3A_33, %dma_start3A_39] : memref<50x200xi32, #tpu.memory_space<vmem>> -> memref<1x200xi32, #tpu.memory_space<vmem>>
    %dma_start3A_41 = tpu.memref_squeeze %dma_start3A_40 : memref<1x200xi32, #tpu.memory_space<vmem>> -> memref<200xi32, #tpu.memory_space<vmem>>
    %dma_start3A_42 = arith.constant 0 : i32
    %dma_start3A_43 = arith.constant 0 : i32
    %dma_start3A_44 = tpu.memref_slice %arg8[%dma_start3A_42, %dma_start3A_43] : memref<10112x64xf32, #tpu.memory_space<vmem_shared>> -> memref<10112x64xf32, #tpu.memory_space<vmem_shared>>
    tpu.enqueue_indirect_dma source(%dma_start3A_44 : memref<10112x64xf32, #tpu.memory_space<vmem_shared>>) target(%dma_start3A_38 : memref<200x64xf32, #tpu.memory_space<vmem>>) offsets(%dma_start3A_41 : memref<200xi32, #tpu.memory_space<vmem>>) semaphore(%arg12 : memref<!tpu.dma_semaphore, #tpu.memory_space<semaphore_mem>>)
    %scan3A = arith.constant 0 : i32
    %scan3A_45 = arith.constant 0 : i32
    %scan3A_46 = arith.constant 50 : i32
    %scan3A_47 = arith.addi %scan3A_45, %scan3A_46 : i32
    %scan3A_48 = arith.constant 1 : i32
    scf.for %scan3A_55 = %scan3A_45 to %scan3A_47 step %scan3A_48  : i32 {
      %rem3A = arith.constant 2 : i32
      %rem3A_56 = arith.remsi %scan3A_55, %rem3A : i32
      %add3A_57 = arith.constant 1 : i32
      %add3A_58 = arith.addi %scan3A_55, %add3A_57 : i32
      %lt3A_59 = arith.constant 50 : i32
      %lt3A_60 = arith.cmpi slt, %add3A_58, %lt3A_59 : i32
      %convert_element_type3A_61 = arith.extui %lt3A_60 : i1 to i32
      %cond3A_62 = arith.constant 0 : i32
      %cond3A_63 = arith.cmpi ne, %convert_element_type3A_61, %cond3A_62 : i32
      scf.if %cond3A_63 {
        %add3A_78 = arith.constant 1 : i32
        %add3A_79 = arith.addi %scan3A_55, %add3A_78 : i32
        %sub3A = arith.constant 1 : i32
        %sub3A_80 = arith.subi %sub3A, %rem3A_56 : i32
        %dma_start3A_81 = arith.constant 0 : i32
        %dma_start3A_82 = arith.constant 0 : i32
        %dma_start3A_83 = tpu.memref_slice %arg11[%sub3A_80, %dma_start3A_81, %dma_start3A_82] : memref<2x200x64xf32, #tpu.memory_space<vmem>> -> memref<1x200x64xf32, #tpu.memory_space<vmem>>
        %dma_start3A_84 = tpu.memref_squeeze %dma_start3A_83 : memref<1x200x64xf32, #tpu.memory_space<vmem>> -> memref<200x64xf32, #tpu.memory_space<vmem>>
        %dma_start3A_85 = arith.constant 0 : i32
        %dma_start3A_86 = tpu.memref_slice %arg9[%add3A_79, %dma_start3A_85] : memref<50x200xi32, #tpu.memory_space<vmem>> -> memref<1x200xi32, #tpu.memory_space<vmem>>
        %dma_start3A_87 = tpu.memref_squeeze %dma_start3A_86 : memref<1x200xi32, #tpu.memory_space<vmem>> -> memref<200xi32, #tpu.memory_space<vmem>>
        %dma_start3A_88 = arith.constant 0 : i32
        %dma_start3A_89 = arith.constant 0 : i32
        %dma_start3A_90 = tpu.memref_slice %arg8[%dma_start3A_88, %dma_start3A_89] : memref<10112x64xf32, #tpu.memory_space<vmem_shared>> -> memref<10112x64xf32, #tpu.memory_space<vmem_shared>>
        tpu.enqueue_indirect_dma source(%dma_start3A_90 : memref<10112x64xf32, #tpu.memory_space<vmem_shared>>) target(%dma_start3A_84 : memref<200x64xf32, #tpu.memory_space<vmem>>) offsets(%dma_start3A_87 : memref<200xi32, #tpu.memory_space<vmem>>) semaphore(%arg12 : memref<!tpu.dma_semaphore, #tpu.memory_space<semaphore_mem>>)
      } else {
      }
      %dma_wait3A_64 = arith.constant 0 : i32
      %dma_wait3A_65 = arith.constant 0 : i32
      %dma_wait3A_66 = tpu.memref_slice %arg11[%rem3A_56, %dma_wait3A_64, %dma_wait3A_65] : memref<2x200x64xf32, #tpu.memory_space<vmem>> -> memref<1x200x64xf32, #tpu.memory_space<vmem>>
      %dma_wait3A_67 = tpu.memref_squeeze %dma_wait3A_66 : memref<1x200x64xf32, #tpu.memory_space<vmem>> -> memref<200x64xf32, #tpu.memory_space<vmem>>
      %dma_wait3A_68 = arith.constant 0 : i32
      %dma_wait3A_69 = arith.constant 0 : i32
      %dma_wait3A_70 = tpu.memref_slice %arg2[%dma_wait3A_68, %dma_wait3A_69] : memref<10000x64xf32, #tpu.memory_space<hbm>> -> memref<200x64xf32, #tpu.memory_space<hbm>>
      %dma_wait3A_71 = arith.constant 0 : i32
      %dma_wait3A_72 = arith.constant 0 : i32
      %dma_wait3A_73 = tpu.memref_slice %arg11[%rem3A_56, %dma_wait3A_71, %dma_wait3A_72] : memref<2x200x64xf32, #tpu.memory_space<vmem>> -> memref<1x200x64xf32, #tpu.memory_space<vmem>>
      %dma_wait3A_74 = tpu.memref_squeeze %dma_wait3A_73 : memref<1x200x64xf32, #tpu.memory_space<vmem>> -> memref<200x64xf32, #tpu.memory_space<vmem>>
      %dma_wait3A_75 = arith.constant 0 : i32
      %dma_wait3A_76 = arith.constant 0 : i32
      %dma_wait3A_77 = tpu.memref_slice %arg2[%dma_wait3A_75, %dma_wait3A_76] : memref<10000x64xf32, #tpu.memory_space<hbm>> -> memref<200x64xf32, #tpu.memory_space<hbm>>
      tpu.wait_dma2 semaphore(%arg12 : memref<!tpu.dma_semaphore, #tpu.memory_space<semaphore_mem>>) src(%dma_wait3A_77 : memref<200x64xf32, #tpu.memory_space<hbm>>) dst(%dma_wait3A_74 : memref<200x64xf32, #tpu.memory_space<vmem>>)
      "tpu.region"() ({
        %run_scoped3A = tpu.sem_alloc : memref<!tpu.dma_semaphore, #tpu.memory_space<semaphore_mem>>
        %dma_start3A_78 = arith.constant 0 : i32
        %dma_start3A_79 = arith.constant 0 : i32
        %dma_start3A_80 = tpu.memref_slice %arg11[%rem3A_56, %dma_start3A_78, %dma_start3A_79] : memref<2x200x64xf32, #tpu.memory_space<vmem>> -> memref<1x200x64xf32, #tpu.memory_space<vmem>>
        %dma_start3A_81 = tpu.memref_squeeze %dma_start3A_80 : memref<1x200x64xf32, #tpu.memory_space<vmem>> -> memref<200x64xf32, #tpu.memory_space<vmem>>
        %dma_start3A_82 = arith.constant 0 : i32
        %dma_start3A_83 = tpu.memref_slice %arg10[%scan3A_55, %dma_start3A_82] : memref<50x200xi32, #tpu.memory_space<vmem>> -> memref<1x200xi32, #tpu.memory_space<vmem>>
        %dma_start3A_84 = tpu.memref_squeeze %dma_start3A_83 : memref<1x200xi32, #tpu.memory_space<vmem>> -> memref<200xi32, #tpu.memory_space<vmem>>
        %dma_start3A_85 = arith.constant 0 : i32
        %dma_start3A_86 = arith.constant 0 : i32
        %dma_start3A_87 = tpu.memref_slice %arg7[%dma_start3A_85, %dma_start3A_86] : memref<10112x64xf32, #tpu.memory_space<vmem_shared>> -> memref<10112x64xf32, #tpu.memory_space<vmem_shared>>
        tpu.enqueue_indirect_dma source(%dma_start3A_81 : memref<200x64xf32, #tpu.memory_space<vmem>>) target(%dma_start3A_87 : memref<10112x64xf32, #tpu.memory_space<vmem_shared>>) offsets(%dma_start3A_84 : memref<200xi32, #tpu.memory_space<vmem>>) semaphore(%run_scoped3A : memref<!tpu.dma_semaphore, #tpu.memory_space<semaphore_mem>>) {add = true}
        %dma_wait3A_88 = arith.constant 0 : i32
        %dma_wait3A_89 = arith.constant 0 : i32
        %dma_wait3A_90 = tpu.memref_slice %arg11[%rem3A_56, %dma_wait3A_88, %dma_wait3A_89] : memref<2x200x64xf32, #tpu.memory_space<vmem>> -> memref<1x200x64xf32, #tpu.memory_space<vmem>>
        %dma_wait3A_91 = tpu.memref_squeeze %dma_wait3A_90 : memref<1x200x64xf32, #tpu.memory_space<vmem>> -> memref<200x64xf32, #tpu.memory_space<vmem>>
        %dma_wait3A_92 = arith.constant 0 : i32
        %dma_wait3A_93 = tpu.memref_slice %arg10[%scan3A_55, %dma_wait3A_92] : memref<50x200xi32, #tpu.memory_space<vmem>> -> memref<1x200xi32, #tpu.memory_space<vmem>>
        %dma_wait3A_94 = tpu.memref_squeeze %dma_wait3A_93 : memref<1x200xi32, #tpu.memory_space<vmem>> -> memref<200xi32, #tpu.memory_space<vmem>>
        %dma_wait3A_95 = arith.constant 0 : i32
        %dma_wait3A_96 = arith.constant 0 : i32
        %dma_wait3A_97 = tpu.memref_slice %arg7[%dma_wait3A_95, %dma_wait3A_96] : memref<10112x64xf32, #tpu.memory_space<vmem_shared>> -> memref<10112x64xf32, #tpu.memory_space<vmem_shared>>
        tpu.wait_indirect_dma semaphore(%run_scoped3A : memref<!tpu.dma_semaphore, #tpu.memory_space<semaphore_mem>>) src(%dma_wait3A_91 : memref<200x64xf32, #tpu.memory_space<vmem>>) dst(%dma_wait3A_97 : memref<10112x64xf32, #tpu.memory_space<vmem_shared>>)
        tpu.yield
      }) : () -> ()
    }
    %scan3A_49 = arith.constant 50 : i32
    %barrier3A_50 = arith.constant 0 : index
    tpu.barrier barrier_id(%barrier3A_50)
    %mul3A_51 = arith.constant 632 : i32
    %mul3A_52 = arith.muli %arg1, %mul3A_51 : i32
    %mul3A_53 = arith.constant 632 : i32
    %mul3A_54 = arith.muli %arg1, %mul3A_53 : i32
    "tpu.region"() ({
      %run_scoped3A = tpu.sem_alloc : memref<!tpu.dma_semaphore, #tpu.memory_space<semaphore_mem>>
      %dma_start3A_55 = arith.constant 0 : i32
      %dma_start3A_56 = tpu.memref_slice %arg6[%arg0, %mul3A_54, %dma_start3A_55] : memref<2x10112x64xf32, #tpu.memory_space<hbm>> -> memref<1x632x64xf32, #tpu.memory_space<hbm>>
      %dma_start3A_57 = tpu.memref_squeeze %dma_start3A_56 : memref<1x632x64xf32, #tpu.memory_space<hbm>> -> memref<632x64xf32, #tpu.memory_space<hbm>>
      %dma_start3A_58 = arith.constant 0 : i32
      %dma_start3A_59 = tpu.memref_slice %arg7[%mul3A_52, %dma_start3A_58] : memref<10112x64xf32, #tpu.memory_space<vmem_shared>> -> memref<632x64xf32, #tpu.memory_space<vmem_shared>>
      tpu.enqueue_dma source(%dma_start3A_59 : memref<632x64xf32, #tpu.memory_space<vmem_shared>>) target(%dma_start3A_57 : memref<632x64xf32, #tpu.memory_space<hbm>>) target_semaphore(%run_scoped3A : memref<!tpu.dma_semaphore, #tpu.memory_space<semaphore_mem>>)
      %dma_wait3A_60 = arith.constant 0 : i32
      %dma_wait3A_61 = tpu.memref_slice %arg6[%arg0, %mul3A_54, %dma_wait3A_60] : memref<2x10112x64xf32, #tpu.memory_space<hbm>> -> memref<1x632x64xf32, #tpu.memory_space<hbm>>
      %dma_wait3A_62 = tpu.memref_squeeze %dma_wait3A_61 : memref<1x632x64xf32, #tpu.memory_space<hbm>> -> memref<632x64xf32, #tpu.memory_space<hbm>>
      %dma_wait3A_63 = arith.constant 0 : i32
      %dma_wait3A_64 = tpu.memref_slice %arg7[%mul3A_52, %dma_wait3A_63] : memref<10112x64xf32, #tpu.memory_space<vmem_shared>> -> memref<632x64xf32, #tpu.memory_space<vmem_shared>>
      tpu.wait_dma2 semaphore(%run_scoped3A : memref<!tpu.dma_semaphore, #tpu.memory_space<semaphore_mem>>) src(%dma_wait3A_64 : memref<632x64xf32, #tpu.memory_space<vmem_shared>>) dst(%dma_wait3A_62 : memref<632x64xf32, #tpu.memory_space<hbm>>)
      tpu.yield
    }) : () -> ()
    return
  }
}

#map = affine_map<(d0, d1) -> (0, 0)>
#map1 = affine_map<(d0, d1) -> (0, 0, 0)>
module attributes {stable_mosaic.version = 14 : i64} {
  func.func @_sc_agg(%arg0: i32, %arg1: i32, %arg2: memref<10000x64xf32, #tpu.memory_space<hbm>>, %arg3: memref<1600x200xi32, #tpu.memory_space<hbm>>, %arg4: memref<1600x200xi32, #tpu.memory_space<hbm>>, %arg5: memref<10112x64xf32, #tpu.memory_space<hbm>>, %arg6: memref<2x10112x64xf32, #tpu.memory_space<hbm>>, %arg7: memref<10112x64xf32, #tpu.memory_space<vmem_shared>>, %arg8: memref<10112x64xf32, #tpu.memory_space<vmem_shared>>, %arg9: memref<50x200xi32, #tpu.memory_space<vmem>>, %arg10: memref<50x200xi32, #tpu.memory_space<vmem>>, %arg11: memref<2x200x64xf32, #tpu.memory_space<vmem>>, %arg12: memref<!tpu.dma_semaphore, #tpu.memory_space<semaphore_mem>>, %arg13: memref<!tpu.dma_semaphore, #tpu.memory_space<semaphore_mem>>) attributes {dimension_semantics = [#tpu.dimension_semantics<core_parallel>, #tpu.dimension_semantics<subcore_parallel>], iteration_bounds = array<i64: 2, 16>, scalar_prefetch = 0 : i64, scratch_operands = 7 : i64, tpu.core_type = #tpu.core_type<sc_vector_subcore>, window_params = [{transform_indices = #map}, {transform_indices = #map}, {transform_indices = #map}, {transform_indices = #map}, {transform_indices = #map1}]} {
    %mul3A = arith.constant 2 : i32
    %mul3A_0 = arith.muli %arg1, %mul3A : i32
    %add3A = arith.addi %mul3A_0, %arg0 : i32
    %mul3A_1 = arith.constant 50 : i32
    %mul3A_2 = arith.muli %add3A, %mul3A_1 : i32
    "tpu.region"() ({
      %run_scoped3A = tpu.sem_alloc : memref<!tpu.dma_semaphore, #tpu.memory_space<semaphore_mem>>
      %dma_start3A_55 = arith.constant 0 : i32
      %dma_start3A_56 = tpu.memref_slice %arg3[%mul3A_2, %dma_start3A_55] : memref<1600x200xi32, #tpu.memory_space<hbm>> -> memref<50x200xi32, #tpu.memory_space<hbm>>
      %dma_start3A_57 = arith.constant 0 : i32
      %dma_start3A_58 = tpu.memref_slice %arg3[%mul3A_2, %dma_start3A_57] : memref<1600x200xi32, #tpu.memory_space<hbm>> -> memref<50x200xi32, #tpu.memory_space<hbm>>
      tpu.enqueue_dma source(%dma_start3A_58 : memref<50x200xi32, #tpu.memory_space<hbm>>) target(%arg9 : memref<50x200xi32, #tpu.memory_space<vmem>>) target_semaphore(%run_scoped3A : memref<!tpu.dma_semaphore, #tpu.memory_space<semaphore_mem>>)
      %dma_wait3A_59 = arith.constant 0 : i32
      %dma_wait3A_60 = tpu.memref_slice %arg3[%mul3A_2, %dma_wait3A_59] : memref<1600x200xi32, #tpu.memory_space<hbm>> -> memref<50x200xi32, #tpu.memory_space<hbm>>
      %dma_wait3A_61 = arith.constant 0 : i32
      %dma_wait3A_62 = tpu.memref_slice %arg3[%mul3A_2, %dma_wait3A_61] : memref<1600x200xi32, #tpu.memory_space<hbm>> -> memref<50x200xi32, #tpu.memory_space<hbm>>
      tpu.wait_dma2 semaphore(%run_scoped3A : memref<!tpu.dma_semaphore, #tpu.memory_space<semaphore_mem>>) src(%dma_wait3A_62 : memref<50x200xi32, #tpu.memory_space<hbm>>) dst(%arg9 : memref<50x200xi32, #tpu.memory_space<vmem>>)
      tpu.yield
    }) : () -> ()
    %mul3A_3 = arith.constant 50 : i32
    %mul3A_4 = arith.muli %add3A, %mul3A_3 : i32
    "tpu.region"() ({
      %run_scoped3A = tpu.sem_alloc : memref<!tpu.dma_semaphore, #tpu.memory_space<semaphore_mem>>
      %dma_start3A_55 = arith.constant 0 : i32
      %dma_start3A_56 = tpu.memref_slice %arg4[%mul3A_4, %dma_start3A_55] : memref<1600x200xi32, #tpu.memory_space<hbm>> -> memref<50x200xi32, #tpu.memory_space<hbm>>
      %dma_start3A_57 = arith.constant 0 : i32
      %dma_start3A_58 = tpu.memref_slice %arg4[%mul3A_4, %dma_start3A_57] : memref<1600x200xi32, #tpu.memory_space<hbm>> -> memref<50x200xi32, #tpu.memory_space<hbm>>
      tpu.enqueue_dma source(%dma_start3A_58 : memref<50x200xi32, #tpu.memory_space<hbm>>) target(%arg10 : memref<50x200xi32, #tpu.memory_space<vmem>>) target_semaphore(%run_scoped3A : memref<!tpu.dma_semaphore, #tpu.memory_space<semaphore_mem>>)
      %dma_wait3A_59 = arith.constant 0 : i32
      %dma_wait3A_60 = tpu.memref_slice %arg4[%mul3A_4, %dma_wait3A_59] : memref<1600x200xi32, #tpu.memory_space<hbm>> -> memref<50x200xi32, #tpu.memory_space<hbm>>
      %dma_wait3A_61 = arith.constant 0 : i32
      %dma_wait3A_62 = tpu.memref_slice %arg4[%mul3A_4, %dma_wait3A_61] : memref<1600x200xi32, #tpu.memory_space<hbm>> -> memref<50x200xi32, #tpu.memory_space<hbm>>
      tpu.wait_dma2 semaphore(%run_scoped3A : memref<!tpu.dma_semaphore, #tpu.memory_space<semaphore_mem>>) src(%dma_wait3A_62 : memref<50x200xi32, #tpu.memory_space<hbm>>) dst(%arg10 : memref<50x200xi32, #tpu.memory_space<vmem>>)
      tpu.yield
    }) : () -> ()
    %lt3A = arith.constant 15 : i32
    %lt3A_5 = arith.cmpi slt, %arg1, %lt3A : i32
    %convert_element_type3A = arith.extui %lt3A_5 : i1 to i32
    %cond3A = arith.constant 0 : i32
    %cond3A_6 = arith.cmpi ne, %convert_element_type3A, %cond3A : i32
    scf.if %cond3A_6 {
      %mul3A_55 = arith.constant 632 : i32
      %mul3A_56 = arith.muli %arg1, %mul3A_55 : i32
      %mul3A_57 = arith.constant 632 : i32
      %mul3A_58 = arith.muli %arg1, %mul3A_57 : i32
      %dma_start3A_59 = arith.constant 0 : i32
      %dma_start3A_60 = tpu.memref_slice %arg8[%mul3A_58, %dma_start3A_59] : memref<10112x64xf32, #tpu.memory_space<vmem_shared>> -> memref<632x64xf32, #tpu.memory_space<vmem_shared>>
      %dma_start3A_61 = arith.constant 0 : i32
      %dma_start3A_62 = tpu.memref_slice %arg2[%mul3A_56, %dma_start3A_61] : memref<10000x64xf32, #tpu.memory_space<hbm>> -> memref<632x64xf32, #tpu.memory_space<hbm>>
      tpu.enqueue_dma source(%dma_start3A_62 : memref<632x64xf32, #tpu.memory_space<hbm>>) target(%dma_start3A_60 : memref<632x64xf32, #tpu.memory_space<vmem_shared>>) target_semaphore(%arg13 : memref<!tpu.dma_semaphore, #tpu.memory_space<semaphore_mem>>)
    } else {
    }
    %eq3A = arith.constant 15 : i32
    %eq3A_7 = arith.cmpi eq, %arg1, %eq3A : i32
    %convert_element_type3A_8 = arith.extui %eq3A_7 : i1 to i32
    %cond3A_9 = arith.constant 0 : i32
    %cond3A_10 = arith.cmpi ne, %convert_element_type3A_8, %cond3A_9 : i32
    scf.if %cond3A_10 {
      %dma_start3A_55 = arith.constant 9480 : i32
      %dma_start3A_56 = arith.constant 0 : i32
      %dma_start3A_57 = tpu.memref_slice %arg8[%dma_start3A_55, %dma_start3A_56] : memref<10112x64xf32, #tpu.memory_space<vmem_shared>> -> memref<520x64xf32, #tpu.memory_space<vmem_shared>>
      %dma_start3A_58 = arith.constant 9480 : i32
      %dma_start3A_59 = arith.constant 0 : i32
      %dma_start3A_60 = tpu.memref_slice %arg2[%dma_start3A_58, %dma_start3A_59] : memref<10000x64xf32, #tpu.memory_space<hbm>> -> memref<520x64xf32, #tpu.memory_space<hbm>>
      tpu.enqueue_dma source(%dma_start3A_60 : memref<520x64xf32, #tpu.memory_space<hbm>>) target(%dma_start3A_57 : memref<520x64xf32, #tpu.memory_space<vmem_shared>>) target_semaphore(%arg13 : memref<!tpu.dma_semaphore, #tpu.memory_space<semaphore_mem>>)
    } else {
    }
    %mul3A_11 = arith.constant 632 : i32
    %mul3A_12 = arith.muli %arg1, %mul3A_11 : i32
    %mul3A_13 = arith.constant 632 : i32
    %mul3A_14 = arith.muli %arg1, %mul3A_13 : i32
    %dma_start3A = arith.constant 0 : i32
    %dma_start3A_15 = tpu.memref_slice %arg7[%mul3A_14, %dma_start3A] : memref<10112x64xf32, #tpu.memory_space<vmem_shared>> -> memref<632x64xf32, #tpu.memory_space<vmem_shared>>
    %dma_start3A_16 = arith.constant 0 : i32
    %dma_start3A_17 = tpu.memref_slice %arg5[%mul3A_12, %dma_start3A_16] : memref<10112x64xf32, #tpu.memory_space<hbm>> -> memref<632x64xf32, #tpu.memory_space<hbm>>
    tpu.enqueue_dma source(%dma_start3A_17 : memref<632x64xf32, #tpu.memory_space<hbm>>) target(%dma_start3A_15 : memref<632x64xf32, #tpu.memory_space<vmem_shared>>) target_semaphore(%arg13 : memref<!tpu.dma_semaphore, #tpu.memory_space<semaphore_mem>>)
    %lt3A_18 = arith.constant 15 : i32
    %lt3A_19 = arith.cmpi slt, %arg1, %lt3A_18 : i32
    %convert_element_type3A_20 = arith.extui %lt3A_19 : i1 to i32
    %cond3A_21 = arith.constant 0 : i32
    %cond3A_22 = arith.cmpi ne, %convert_element_type3A_20, %cond3A_21 : i32
    scf.if %cond3A_22 {
      %dma_wait3A_55 = arith.constant 0 : i32
      %dma_wait3A_56 = arith.constant 0 : i32
      %dma_wait3A_57 = tpu.memref_slice %arg8[%dma_wait3A_55, %dma_wait3A_56] : memref<10112x64xf32, #tpu.memory_space<vmem_shared>> -> memref<632x64xf32, #tpu.memory_space<vmem_shared>>
      %dma_wait3A_58 = arith.constant 0 : i32
      %dma_wait3A_59 = arith.constant 0 : i32
      %dma_wait3A_60 = tpu.memref_slice %arg2[%dma_wait3A_58, %dma_wait3A_59] : memref<10000x64xf32, #tpu.memory_space<hbm>> -> memref<632x64xf32, #tpu.memory_space<hbm>>
      tpu.wait_dma2 semaphore(%arg13 : memref<!tpu.dma_semaphore, #tpu.memory_space<semaphore_mem>>) src(%dma_wait3A_60 : memref<632x64xf32, #tpu.memory_space<hbm>>) dst(%dma_wait3A_57 : memref<632x64xf32, #tpu.memory_space<vmem_shared>>)
    } else {
    }
    %eq3A_23 = arith.constant 15 : i32
    %eq3A_24 = arith.cmpi eq, %arg1, %eq3A_23 : i32
    %convert_element_type3A_25 = arith.extui %eq3A_24 : i1 to i32
    %cond3A_26 = arith.constant 0 : i32
    %cond3A_27 = arith.cmpi ne, %convert_element_type3A_25, %cond3A_26 : i32
    scf.if %cond3A_27 {
      %dma_wait3A_55 = arith.constant 0 : i32
      %dma_wait3A_56 = arith.constant 0 : i32
      %dma_wait3A_57 = tpu.memref_slice %arg8[%dma_wait3A_55, %dma_wait3A_56] : memref<10112x64xf32, #tpu.memory_space<vmem_shared>> -> memref<520x64xf32, #tpu.memory_space<vmem_shared>>
      %dma_wait3A_58 = arith.constant 0 : i32
      %dma_wait3A_59 = arith.constant 0 : i32
      %dma_wait3A_60 = tpu.memref_slice %arg2[%dma_wait3A_58, %dma_wait3A_59] : memref<10000x64xf32, #tpu.memory_space<hbm>> -> memref<520x64xf32, #tpu.memory_space<hbm>>
      tpu.wait_dma2 semaphore(%arg13 : memref<!tpu.dma_semaphore, #tpu.memory_space<semaphore_mem>>) src(%dma_wait3A_60 : memref<520x64xf32, #tpu.memory_space<hbm>>) dst(%dma_wait3A_57 : memref<520x64xf32, #tpu.memory_space<vmem_shared>>)
    } else {
    }
    %dma_wait3A = arith.constant 0 : i32
    %dma_wait3A_28 = arith.constant 0 : i32
    %dma_wait3A_29 = tpu.memref_slice %arg7[%dma_wait3A, %dma_wait3A_28] : memref<10112x64xf32, #tpu.memory_space<vmem_shared>> -> memref<632x64xf32, #tpu.memory_space<vmem_shared>>
    %dma_wait3A_30 = arith.constant 0 : i32
    %dma_wait3A_31 = arith.constant 0 : i32
    %dma_wait3A_32 = tpu.memref_slice %arg5[%dma_wait3A_30, %dma_wait3A_31] : memref<10112x64xf32, #tpu.memory_space<hbm>> -> memref<632x64xf32, #tpu.memory_space<hbm>>
    tpu.wait_dma2 semaphore(%arg13 : memref<!tpu.dma_semaphore, #tpu.memory_space<semaphore_mem>>) src(%dma_wait3A_32 : memref<632x64xf32, #tpu.memory_space<hbm>>) dst(%dma_wait3A_29 : memref<632x64xf32, #tpu.memory_space<vmem_shared>>)
    %barrier3A = arith.constant 0 : index
    tpu.barrier barrier_id(%barrier3A)
    %dma_start3A_33 = arith.constant 0 : i32
    %dma_start3A_34 = arith.constant 0 : i32
    %dma_start3A_35 = arith.constant 0 : i32
    %dma_start3A_36 = arith.constant 0 : i32
    %dma_start3A_37 = tpu.memref_slice %arg11[%dma_start3A_34, %dma_start3A_35, %dma_start3A_36] : memref<2x200x64xf32, #tpu.memory_space<vmem>> -> memref<1x200x64xf32, #tpu.memory_space<vmem>>
    %dma_start3A_38 = tpu.memref_squeeze %dma_start3A_37 : memref<1x200x64xf32, #tpu.memory_space<vmem>> -> memref<200x64xf32, #tpu.memory_space<vmem>>
    %dma_start3A_39 = arith.constant 0 : i32
    %dma_start3A_40 = tpu.memref_slice %arg9[%dma_start3A_33, %dma_start3A_39] : memref<50x200xi32, #tpu.memory_space<vmem>> -> memref<1x200xi32, #tpu.memory_space<vmem>>
    %dma_start3A_41 = tpu.memref_squeeze %dma_start3A_40 : memref<1x200xi32, #tpu.memory_space<vmem>> -> memref<200xi32, #tpu.memory_space<vmem>>
    %dma_start3A_42 = arith.constant 0 : i32
    %dma_start3A_43 = arith.constant 0 : i32
    %dma_start3A_44 = tpu.memref_slice %arg8[%dma_start3A_42, %dma_start3A_43] : memref<10112x64xf32, #tpu.memory_space<vmem_shared>> -> memref<10112x64xf32, #tpu.memory_space<vmem_shared>>
    tpu.enqueue_indirect_dma source(%dma_start3A_44 : memref<10112x64xf32, #tpu.memory_space<vmem_shared>>) target(%dma_start3A_38 : memref<200x64xf32, #tpu.memory_space<vmem>>) offsets(%dma_start3A_41 : memref<200xi32, #tpu.memory_space<vmem>>) semaphore(%arg12 : memref<!tpu.dma_semaphore, #tpu.memory_space<semaphore_mem>>)
    %scan3A = arith.constant 0 : i32
    %scan3A_45 = arith.constant 0 : i32
    %scan3A_46 = arith.constant 50 : i32
    %scan3A_47 = arith.addi %scan3A_45, %scan3A_46 : i32
    %scan3A_48 = arith.constant 1 : i32
    scf.for %scan3A_55 = %scan3A_45 to %scan3A_47 step %scan3A_48  : i32 {
      %rem3A = arith.constant 2 : i32
      %rem3A_56 = arith.remsi %scan3A_55, %rem3A : i32
      %add3A_57 = arith.constant 1 : i32
      %add3A_58 = arith.addi %scan3A_55, %add3A_57 : i32
      %lt3A_59 = arith.constant 50 : i32
      %lt3A_60 = arith.cmpi slt, %add3A_58, %lt3A_59 : i32
      %convert_element_type3A_61 = arith.extui %lt3A_60 : i1 to i32
      %cond3A_62 = arith.constant 0 : i32
      %cond3A_63 = arith.cmpi ne, %convert_element_type3A_61, %cond3A_62 : i32
      scf.if %cond3A_63 {
        %add3A_78 = arith.constant 1 : i32
        %add3A_79 = arith.addi %scan3A_55, %add3A_78 : i32
        %sub3A = arith.constant 1 : i32
        %sub3A_80 = arith.subi %sub3A, %rem3A_56 : i32
        %dma_start3A_81 = arith.constant 0 : i32
        %dma_start3A_82 = arith.constant 0 : i32
        %dma_start3A_83 = tpu.memref_slice %arg11[%sub3A_80, %dma_start3A_81, %dma_start3A_82] : memref<2x200x64xf32, #tpu.memory_space<vmem>> -> memref<1x200x64xf32, #tpu.memory_space<vmem>>
        %dma_start3A_84 = tpu.memref_squeeze %dma_start3A_83 : memref<1x200x64xf32, #tpu.memory_space<vmem>> -> memref<200x64xf32, #tpu.memory_space<vmem>>
        %dma_start3A_85 = arith.constant 0 : i32
        %dma_start3A_86 = tpu.memref_slice %arg9[%add3A_79, %dma_start3A_85] : memref<50x200xi32, #tpu.memory_space<vmem>> -> memref<1x200xi32, #tpu.memory_space<vmem>>
        %dma_start3A_87 = tpu.memref_squeeze %dma_start3A_86 : memref<1x200xi32, #tpu.memory_space<vmem>> -> memref<200xi32, #tpu.memory_space<vmem>>
        %dma_start3A_88 = arith.constant 0 : i32
        %dma_start3A_89 = arith.constant 0 : i32
        %dma_start3A_90 = tpu.memref_slice %arg8[%dma_start3A_88, %dma_start3A_89] : memref<10112x64xf32, #tpu.memory_space<vmem_shared>> -> memref<10112x64xf32, #tpu.memory_space<vmem_shared>>
        tpu.enqueue_indirect_dma source(%dma_start3A_90 : memref<10112x64xf32, #tpu.memory_space<vmem_shared>>) target(%dma_start3A_84 : memref<200x64xf32, #tpu.memory_space<vmem>>) offsets(%dma_start3A_87 : memref<200xi32, #tpu.memory_space<vmem>>) semaphore(%arg12 : memref<!tpu.dma_semaphore, #tpu.memory_space<semaphore_mem>>)
      } else {
      }
      %dma_wait3A_64 = arith.constant 0 : i32
      %dma_wait3A_65 = arith.constant 0 : i32
      %dma_wait3A_66 = tpu.memref_slice %arg11[%rem3A_56, %dma_wait3A_64, %dma_wait3A_65] : memref<2x200x64xf32, #tpu.memory_space<vmem>> -> memref<1x200x64xf32, #tpu.memory_space<vmem>>
      %dma_wait3A_67 = tpu.memref_squeeze %dma_wait3A_66 : memref<1x200x64xf32, #tpu.memory_space<vmem>> -> memref<200x64xf32, #tpu.memory_space<vmem>>
      %dma_wait3A_68 = arith.constant 0 : i32
      %dma_wait3A_69 = arith.constant 0 : i32
      %dma_wait3A_70 = tpu.memref_slice %arg2[%dma_wait3A_68, %dma_wait3A_69] : memref<10000x64xf32, #tpu.memory_space<hbm>> -> memref<200x64xf32, #tpu.memory_space<hbm>>
      %dma_wait3A_71 = arith.constant 0 : i32
      %dma_wait3A_72 = arith.constant 0 : i32
      %dma_wait3A_73 = tpu.memref_slice %arg11[%rem3A_56, %dma_wait3A_71, %dma_wait3A_72] : memref<2x200x64xf32, #tpu.memory_space<vmem>> -> memref<1x200x64xf32, #tpu.memory_space<vmem>>
      %dma_wait3A_74 = tpu.memref_squeeze %dma_wait3A_73 : memref<1x200x64xf32, #tpu.memory_space<vmem>> -> memref<200x64xf32, #tpu.memory_space<vmem>>
      %dma_wait3A_75 = arith.constant 0 : i32
      %dma_wait3A_76 = arith.constant 0 : i32
      %dma_wait3A_77 = tpu.memref_slice %arg2[%dma_wait3A_75, %dma_wait3A_76] : memref<10000x64xf32, #tpu.memory_space<hbm>> -> memref<200x64xf32, #tpu.memory_space<hbm>>
      tpu.wait_dma2 semaphore(%arg12 : memref<!tpu.dma_semaphore, #tpu.memory_space<semaphore_mem>>) src(%dma_wait3A_77 : memref<200x64xf32, #tpu.memory_space<hbm>>) dst(%dma_wait3A_74 : memref<200x64xf32, #tpu.memory_space<vmem>>)
      "tpu.region"() ({
        %run_scoped3A = tpu.sem_alloc : memref<!tpu.dma_semaphore, #tpu.memory_space<semaphore_mem>>
        %dma_start3A_78 = arith.constant 0 : i32
        %dma_start3A_79 = arith.constant 0 : i32
        %dma_start3A_80 = tpu.memref_slice %arg11[%rem3A_56, %dma_start3A_78, %dma_start3A_79] : memref<2x200x64xf32, #tpu.memory_space<vmem>> -> memref<1x200x64xf32, #tpu.memory_space<vmem>>
        %dma_start3A_81 = tpu.memref_squeeze %dma_start3A_80 : memref<1x200x64xf32, #tpu.memory_space<vmem>> -> memref<200x64xf32, #tpu.memory_space<vmem>>
        %dma_start3A_82 = arith.constant 0 : i32
        %dma_start3A_83 = tpu.memref_slice %arg10[%scan3A_55, %dma_start3A_82] : memref<50x200xi32, #tpu.memory_space<vmem>> -> memref<1x200xi32, #tpu.memory_space<vmem>>
        %dma_start3A_84 = tpu.memref_squeeze %dma_start3A_83 : memref<1x200xi32, #tpu.memory_space<vmem>> -> memref<200xi32, #tpu.memory_space<vmem>>
        %dma_start3A_85 = arith.constant 0 : i32
        %dma_start3A_86 = arith.constant 0 : i32
        %dma_start3A_87 = tpu.memref_slice %arg7[%dma_start3A_85, %dma_start3A_86] : memref<10112x64xf32, #tpu.memory_space<vmem_shared>> -> memref<10112x64xf32, #tpu.memory_space<vmem_shared>>
        tpu.enqueue_indirect_dma source(%dma_start3A_81 : memref<200x64xf32, #tpu.memory_space<vmem>>) target(%dma_start3A_87 : memref<10112x64xf32, #tpu.memory_space<vmem_shared>>) offsets(%dma_start3A_84 : memref<200xi32, #tpu.memory_space<vmem>>) semaphore(%run_scoped3A : memref<!tpu.dma_semaphore, #tpu.memory_space<semaphore_mem>>) {add = true}
        %dma_wait3A_88 = arith.constant 0 : i32
        %dma_wait3A_89 = arith.constant 0 : i32
        %dma_wait3A_90 = tpu.memref_slice %arg11[%rem3A_56, %dma_wait3A_88, %dma_wait3A_89] : memref<2x200x64xf32, #tpu.memory_space<vmem>> -> memref<1x200x64xf32, #tpu.memory_space<vmem>>
        %dma_wait3A_91 = tpu.memref_squeeze %dma_wait3A_90 : memref<1x200x64xf32, #tpu.memory_space<vmem>> -> memref<200x64xf32, #tpu.memory_space<vmem>>
        %dma_wait3A_92 = arith.constant 0 : i32
        %dma_wait3A_93 = tpu.memref_slice %arg10[%scan3A_55, %dma_wait3A_92] : memref<50x200xi32, #tpu.memory_space<vmem>> -> memref<1x200xi32, #tpu.memory_space<vmem>>
        %dma_wait3A_94 = tpu.memref_squeeze %dma_wait3A_93 : memref<1x200xi32, #tpu.memory_space<vmem>> -> memref<200xi32, #tpu.memory_space<vmem>>
        %dma_wait3A_95 = arith.constant 0 : i32
        %dma_wait3A_96 = arith.constant 0 : i32
        %dma_wait3A_97 = tpu.memref_slice %arg7[%dma_wait3A_95, %dma_wait3A_96] : memref<10112x64xf32, #tpu.memory_space<vmem_shared>> -> memref<10112x64xf32, #tpu.memory_space<vmem_shared>>
        tpu.wait_indirect_dma semaphore(%run_scoped3A : memref<!tpu.dma_semaphore, #tpu.memory_space<semaphore_mem>>) src(%dma_wait3A_91 : memref<200x64xf32, #tpu.memory_space<vmem>>) dst(%dma_wait3A_97 : memref<10112x64xf32, #tpu.memory_space<vmem_shared>>)
        tpu.yield
      }) : () -> ()
    }
    %scan3A_49 = arith.constant 50 : i32
    %barrier3A_50 = arith.constant 0 : index
    tpu.barrier barrier_id(%barrier3A_50)
    %mul3A_51 = arith.constant 632 : i32
    %mul3A_52 = arith.muli %arg1, %mul3A_51 : i32
    %mul3A_53 = arith.constant 632 : i32
    %mul3A_54 = arith.muli %arg1, %mul3A_53 : i32
    "tpu.region"() ({
      %run_scoped3A = tpu.sem_alloc : memref<!tpu.dma_semaphore, #tpu.memory_space<semaphore_mem>>
      %dma_start3A_55 = arith.constant 0 : i32
      %dma_start3A_56 = tpu.memref_slice %arg6[%arg0, %mul3A_54, %dma_start3A_55] : memref<2x10112x64xf32, #tpu.memory_space<hbm>> -> memref<1x632x64xf32, #tpu.memory_space<hbm>>
      %dma_start3A_57 = tpu.memref_squeeze %dma_start3A_56 : memref<1x632x64xf32, #tpu.memory_space<hbm>> -> memref<632x64xf32, #tpu.memory_space<hbm>>
      %dma_start3A_58 = arith.constant 0 : i32
      %dma_start3A_59 = tpu.memref_slice %arg7[%mul3A_52, %dma_start3A_58] : memref<10112x64xf32, #tpu.memory_space<vmem_shared>> -> memref<632x64xf32, #tpu.memory_space<vmem_shared>>
      tpu.enqueue_dma source(%dma_start3A_59 : memref<632x64xf32, #tpu.memory_space<vmem_shared>>) target(%dma_start3A_57 : memref<632x64xf32, #tpu.memory_space<hbm>>) target_semaphore(%run_scoped3A : memref<!tpu.dma_semaphore, #tpu.memory_space<semaphore_mem>>)
      %dma_wait3A_60 = arith.constant 0 : i32
      %dma_wait3A_61 = tpu.memref_slice %arg6[%arg0, %mul3A_54, %dma_wait3A_60] : memref<2x10112x64xf32, #tpu.memory_space<hbm>> -> memref<1x632x64xf32, #tpu.memory_space<hbm>>
      %dma_wait3A_62 = tpu.memref_squeeze %dma_wait3A_61 : memref<1x632x64xf32, #tpu.memory_space<hbm>> -> memref<632x64xf32, #tpu.memory_space<hbm>>
      %dma_wait3A_63 = arith.constant 0 : i32
      %dma_wait3A_64 = tpu.memref_slice %arg7[%mul3A_52, %dma_wait3A_63] : memref<10112x64xf32, #tpu.memory_space<vmem_shared>> -> memref<632x64xf32, #tpu.memory_space<vmem_shared>>
      tpu.wait_dma2 semaphore(%run_scoped3A : memref<!tpu.dma_semaphore, #tpu.memory_space<semaphore_mem>>) src(%dma_wait3A_64 : memref<632x64xf32, #tpu.memory_space<vmem_shared>>) dst(%dma_wait3A_62 : memref<632x64xf32, #tpu.memory_space<hbm>>)
      tpu.yield
    }) : () -> ()
    return
  }
}

module attributes {stable_mosaic.version = 14 : i64} {
  func.func @_tc_in(%arg0: memref<10000x128xf32, #tpu.memory_space<vmem>>, %arg1: memref<128x64xf32, #tpu.memory_space<vmem>>, %arg2: memref<1x64xf32, #tpu.memory_space<vmem>>, %arg3: memref<10000x64xf32, #tpu.memory_space<vmem>>) attributes {dimension_semantics = [], scalar_prefetch = 0 : i64, scratch_operands = 0 : i64, tpu.core_type = #tpu.core_type<tc>} {
    %get3A = arith.constant 0 : index
    %get3A_0 = arith.constant 0 : index
    %get3A_1 = vector.load %arg0[%get3A, %get3A_0] : memref<10000x128xf32, #tpu.memory_space<vmem>>, vector<10000x128xf32>
    %get3A_2 = arith.constant 0 : index
    %get3A_3 = arith.constant 0 : index
    %get3A_4 = vector.load %arg1[%get3A_2, %get3A_3] : memref<128x64xf32, #tpu.memory_space<vmem>>, vector<128x64xf32>
    %dot_general3A = arith.constant dense<0.000000e+00> : vector<10000x64xf32>
    %dot_general3A_5 = tpu.matmul %get3A_1, %get3A_4, %dot_general3A {dimension_numbers = #tpu.dot_dimension_numbers<[1], [0], [0], [1], [0, 0, 1, 1], [], []>, transpose_lhs_hint = false} : vector<10000x128xf32>, vector<128x64xf32>, vector<10000x64xf32> -> vector<10000x64xf32>
    %get3A_6 = arith.constant 0 : index
    %get3A_7 = arith.constant 0 : index
    %get3A_8 = vector.load %arg2[%get3A_6, %get3A_7] : memref<1x64xf32, #tpu.memory_space<vmem>>, vector<1x64xf32>
    %add3A = vector.broadcast %get3A_8 : vector<1x64xf32> to vector<10000x64xf32>
    %add3A_9 = arith.addf %dot_general3A_5, %add3A : vector<10000x64xf32>
    %max3A = arith.constant 0.000000e+00 : f32
    %max3A_10 = vector.broadcast %max3A : f32 to vector<10000x64xf32>
    %max3A_11 = arith.maximumf %add3A_9, %max3A_10 : vector<10000x64xf32>
    %swap3A = arith.constant 0 : index
    %swap3A_12 = arith.constant 0 : index
    %swap3A_13 = vector.load %arg3[%swap3A, %swap3A_12] : memref<10000x64xf32, #tpu.memory_space<vmem>>, vector<10000x64xf32>
    tpu.vector_store %arg3[%swap3A, %swap3A_12], %max3A_11 {strides = array<i32>} : memref<10000x64xf32, #tpu.memory_space<vmem>>, vector<10000x64xf32>,
    return
  }
}

module attributes {stable_mosaic.version = 14 : i64} {
  func.func @_tc_mlp(%arg0: memref<10000x64xf32, #tpu.memory_space<vmem>>, %arg1: memref<2x10112x64xf32, #tpu.memory_space<vmem>>, %arg2: memref<64x64xf32, #tpu.memory_space<vmem>>, %arg3: memref<1x64xf32, #tpu.memory_space<vmem>>, %arg4: memref<64x64xf32, #tpu.memory_space<vmem>>, %arg5: memref<1x64xf32, #tpu.memory_space<vmem>>, %arg6: memref<10000x64xf32, #tpu.memory_space<vmem>>) attributes {dimension_semantics = [], scalar_prefetch = 0 : i64, scratch_operands = 0 : i64, tpu.core_type = #tpu.core_type<tc>} {
    %get3A = arith.constant 0 : index
    %get3A_0 = arith.constant 0 : index
    %get3A_1 = vector.load %arg0[%get3A, %get3A_0] : memref<10000x64xf32, #tpu.memory_space<vmem>>, vector<10000x64xf32>
    %get3A_2 = arith.constant 0 : index
    %get3A_3 = arith.constant 0 : index
    %get3A_4 = arith.constant 0 : index
    %get3A_5 = vector.load %arg1[%get3A_2, %get3A_3, %get3A_4] : memref<2x10112x64xf32, #tpu.memory_space<vmem>>, vector<1x10000x64xf32>
    %get3A_6 = vector.shape_cast %get3A_5 : vector<1x10000x64xf32> to vector<10000x64xf32>
    %add3A = arith.addf %get3A_1, %get3A_6 : vector<10000x64xf32>
    %get3A_7 = arith.constant 1 : index
    %get3A_8 = arith.constant 0 : index
    %get3A_9 = arith.constant 0 : index
    %get3A_10 = vector.load %arg1[%get3A_7, %get3A_8, %get3A_9] : memref<2x10112x64xf32, #tpu.memory_space<vmem>>, vector<1x10000x64xf32>
    %get3A_11 = vector.shape_cast %get3A_10 : vector<1x10000x64xf32> to vector<10000x64xf32>
    %add3A_12 = arith.addf %add3A, %get3A_11 : vector<10000x64xf32>
    %get3A_13 = arith.constant 0 : index
    %get3A_14 = arith.constant 0 : index
    %get3A_15 = vector.load %arg2[%get3A_13, %get3A_14] : memref<64x64xf32, #tpu.memory_space<vmem>>, vector<64x64xf32>
    %dot_general3A = arith.constant dense<0.000000e+00> : vector<10000x64xf32>
    %dot_general3A_16 = tpu.matmul %add3A_12, %get3A_15, %dot_general3A {dimension_numbers = #tpu.dot_dimension_numbers<[1], [0], [0], [1], [0, 0, 1, 1], [], []>, transpose_lhs_hint = false} : vector<10000x64xf32>, vector<64x64xf32>, vector<10000x64xf32> -> vector<10000x64xf32>
    %get3A_17 = arith.constant 0 : index
    %get3A_18 = arith.constant 0 : index
    %get3A_19 = vector.load %arg3[%get3A_17, %get3A_18] : memref<1x64xf32, #tpu.memory_space<vmem>>, vector<1x64xf32>
    %add3A_20 = vector.broadcast %get3A_19 : vector<1x64xf32> to vector<10000x64xf32>
    %add3A_21 = arith.addf %dot_general3A_16, %add3A_20 : vector<10000x64xf32>
    %max3A = arith.constant 0.000000e+00 : f32
    %max3A_22 = vector.broadcast %max3A : f32 to vector<10000x64xf32>
    %max3A_23 = arith.maximumf %add3A_21, %max3A_22 : vector<10000x64xf32>
    %get3A_24 = arith.constant 0 : index
    %get3A_25 = arith.constant 0 : index
    %get3A_26 = vector.load %arg4[%get3A_24, %get3A_25] : memref<64x64xf32, #tpu.memory_space<vmem>>, vector<64x64xf32>
    %dot_general3A_27 = arith.constant dense<0.000000e+00> : vector<10000x64xf32>
    %dot_general3A_28 = tpu.matmul %max3A_23, %get3A_26, %dot_general3A_27 {dimension_numbers = #tpu.dot_dimension_numbers<[1], [0], [0], [1], [0, 0, 1, 1], [], []>, transpose_lhs_hint = false} : vector<10000x64xf32>, vector<64x64xf32>, vector<10000x64xf32> -> vector<10000x64xf32>
    %get3A_29 = arith.constant 0 : index
    %get3A_30 = arith.constant 0 : index
    %get3A_31 = vector.load %arg5[%get3A_29, %get3A_30] : memref<1x64xf32, #tpu.memory_space<vmem>>, vector<1x64xf32>
    %add3A_32 = vector.broadcast %get3A_31 : vector<1x64xf32> to vector<10000x64xf32>
    %add3A_33 = arith.addf %dot_general3A_28, %add3A_32 : vector<10000x64xf32>
    %max3A_34 = arith.constant 0.000000e+00 : f32
    %max3A_35 = vector.broadcast %max3A_34 : f32 to vector<10000x64xf32>
    %max3A_36 = arith.maximumf %add3A_33, %max3A_35 : vector<10000x64xf32>
    %swap3A = arith.constant 0 : index
    %swap3A_37 = arith.constant 0 : index
    %swap3A_38 = vector.load %arg6[%swap3A, %swap3A_37] : memref<10000x64xf32, #tpu.memory_space<vmem>>, vector<10000x64xf32>
    tpu.vector_store %arg6[%swap3A, %swap3A_37], %max3A_36 {strides = array<i32>} : memref<10000x64xf32, #tpu.memory_space<vmem>>, vector<10000x64xf32>,
    return
  }
}

module attributes {stable_mosaic.version = 14 : i64} {
  func.func @_tc_tail(%arg0: memref<10000x64xf32, #tpu.memory_space<vmem>>, %arg1: memref<2x10112x64xf32, #tpu.memory_space<vmem>>, %arg2: memref<10000x1xi32, #tpu.memory_space<vmem>>, %arg3: memref<64x64xf32, #tpu.memory_space<vmem>>, %arg4: memref<1x64xf32, #tpu.memory_space<vmem>>, %arg5: memref<64x64xf32, #tpu.memory_space<vmem>>, %arg6: memref<1x64xf32, #tpu.memory_space<vmem>>, %arg7: memref<64x5xf32, #tpu.memory_space<vmem>>, %arg8: memref<1x5xf32, #tpu.memory_space<vmem>>, %arg9: memref<64x64xf32, #tpu.memory_space<vmem>>, %arg10: memref<64x5xf32, #tpu.memory_space<vmem>>) attributes {dimension_semantics = [], scalar_prefetch = 0 : i64, scratch_operands = 0 : i64, tpu.core_type = #tpu.core_type<tc>} {
    %get3A = arith.constant 0 : index
    %get3A_0 = arith.constant 0 : index
    %get3A_1 = vector.load %arg0[%get3A, %get3A_0] : memref<10000x64xf32, #tpu.memory_space<vmem>>, vector<10000x64xf32>
    %get3A_2 = arith.constant 0 : index
    %get3A_3 = arith.constant 0 : index
    %get3A_4 = arith.constant 0 : index
    %get3A_5 = vector.load %arg1[%get3A_2, %get3A_3, %get3A_4] : memref<2x10112x64xf32, #tpu.memory_space<vmem>>, vector<1x10000x64xf32>
    %get3A_6 = vector.shape_cast %get3A_5 : vector<1x10000x64xf32> to vector<10000x64xf32>
    %add3A = arith.addf %get3A_1, %get3A_6 : vector<10000x64xf32>
    %get3A_7 = arith.constant 1 : index
    %get3A_8 = arith.constant 0 : index
    %get3A_9 = arith.constant 0 : index
    %get3A_10 = vector.load %arg1[%get3A_7, %get3A_8, %get3A_9] : memref<2x10112x64xf32, #tpu.memory_space<vmem>>, vector<1x10000x64xf32>
    %get3A_11 = vector.shape_cast %get3A_10 : vector<1x10000x64xf32> to vector<10000x64xf32>
    %add3A_12 = arith.addf %add3A, %get3A_11 : vector<10000x64xf32>
    %get3A_13 = arith.constant 0 : index
    %get3A_14 = arith.constant 0 : index
    %get3A_15 = vector.load %arg3[%get3A_13, %get3A_14] : memref<64x64xf32, #tpu.memory_space<vmem>>, vector<64x64xf32>
    %dot_general3A = arith.constant dense<0.000000e+00> : vector<10000x64xf32>
    %dot_general3A_16 = tpu.matmul %add3A_12, %get3A_15, %dot_general3A {dimension_numbers = #tpu.dot_dimension_numbers<[1], [0], [0], [1], [0, 0, 1, 1], [], []>, transpose_lhs_hint = false} : vector<10000x64xf32>, vector<64x64xf32>, vector<10000x64xf32> -> vector<10000x64xf32>
    %get3A_17 = arith.constant 0 : index
    %get3A_18 = arith.constant 0 : index
    %get3A_19 = vector.load %arg4[%get3A_17, %get3A_18] : memref<1x64xf32, #tpu.memory_space<vmem>>, vector<1x64xf32>
    %add3A_20 = vector.broadcast %get3A_19 : vector<1x64xf32> to vector<10000x64xf32>
    %add3A_21 = arith.addf %dot_general3A_16, %add3A_20 : vector<10000x64xf32>
    %max3A = arith.constant 0.000000e+00 : f32
    %max3A_22 = vector.broadcast %max3A : f32 to vector<10000x64xf32>
    %max3A_23 = arith.maximumf %add3A_21, %max3A_22 : vector<10000x64xf32>
    %get3A_24 = arith.constant 0 : index
    %get3A_25 = arith.constant 0 : index
    %get3A_26 = vector.load %arg5[%get3A_24, %get3A_25] : memref<64x64xf32, #tpu.memory_space<vmem>>, vector<64x64xf32>
    %dot_general3A_27 = arith.constant dense<0.000000e+00> : vector<10000x64xf32>
    %dot_general3A_28 = tpu.matmul %max3A_23, %get3A_26, %dot_general3A_27 {dimension_numbers = #tpu.dot_dimension_numbers<[1], [0], [0], [1], [0, 0, 1, 1], [], []>, transpose_lhs_hint = false} : vector<10000x64xf32>, vector<64x64xf32>, vector<10000x64xf32> -> vector<10000x64xf32>
    %get3A_29 = arith.constant 0 : index
    %get3A_30 = arith.constant 0 : index
    %get3A_31 = vector.load %arg6[%get3A_29, %get3A_30] : memref<1x64xf32, #tpu.memory_space<vmem>>, vector<1x64xf32>
    %add3A_32 = vector.broadcast %get3A_31 : vector<1x64xf32> to vector<10000x64xf32>
    %add3A_33 = arith.addf %dot_general3A_28, %add3A_32 : vector<10000x64xf32>
    %max3A_34 = arith.constant 0.000000e+00 : f32
    %max3A_35 = vector.broadcast %max3A_34 : f32 to vector<10000x64xf32>
    %max3A_36 = arith.maximumf %add3A_33, %max3A_35 : vector<10000x64xf32>
    %get3A_37 = arith.constant 0 : index
    %get3A_38 = arith.constant 0 : index
    %get3A_39 = vector.load %arg2[%get3A_37, %get3A_38] : memref<10000x1xi32, #tpu.memory_space<vmem>>, vector<10000x1xi32>
    %iota3A = tpu.iota {dimensions = array<i32: 1>} : vector<10000x64xi32>
    %eq3A = vector.broadcast %get3A_39 : vector<10000x1xi32> to vector<10000x64xi32>
    %eq3A_40 = arith.cmpi eq, %eq3A, %iota3A : vector<10000x64xi32>
    %convert_element_type3A = arith.extui %eq3A_40 : vector<10000x64xi1> to vector<10000x64xi32>
    %convert_element_type3A_41 = arith.sitofp %convert_element_type3A : vector<10000x64xi32> to vector<10000x64xf32>
    %dot_general3A_42 = arith.constant dense<0.000000e+00> : vector<64x64xf32>
    %dot_general3A_43 = tpu.matmul %convert_element_type3A_41, %max3A_36, %dot_general3A_42 {dimension_numbers = #tpu.dot_dimension_numbers<[0], [0], [1], [1], [0, 1, 1, 1], [], []>, transpose_lhs_hint = false} : vector<10000x64xf32>, vector<10000x64xf32>, vector<64x64xf32> -> vector<64x64xf32>
    %reduce_sum3A = arith.constant dense<0.000000e+00> : vector<64xf32>
    %reduce_sum3A_44 = vector.multi_reduction <add>, %convert_element_type3A_41, %reduce_sum3A [0] : vector<10000x64xf32> to vector<64xf32>
    %max3A_45 = arith.constant 1.000000e+00 : f32
    %max3A_46 = vector.broadcast %max3A_45 : f32 to vector<64xf32>
    %max3A_47 = arith.maximumf %reduce_sum3A_44, %max3A_46 : vector<64xf32>
    %broadcast_in_dim3A = vector.shape_cast %max3A_47 : vector<64xf32> to vector<64x1xf32>
    %div3A = vector.broadcast %broadcast_in_dim3A : vector<64x1xf32> to vector<64x64xf32>
    %div3A_48 = arith.divf %dot_general3A_43, %div3A : vector<64x64xf32>
    %swap3A = arith.constant 0 : index
    %swap3A_49 = arith.constant 0 : index
    %swap3A_50 = vector.load %arg9[%swap3A, %swap3A_49] : memref<64x64xf32, #tpu.memory_space<vmem>>, vector<64x64xf32>
    tpu.vector_store %arg9[%swap3A, %swap3A_49], %div3A_48 {strides = array<i32>} : memref<64x64xf32, #tpu.memory_space<vmem>>, vector<64x64xf32>,
    %get3A_51 = arith.constant 0 : index
    %get3A_52 = arith.constant 0 : index
    %get3A_53 = vector.load %arg7[%get3A_51, %get3A_52] : memref<64x5xf32, #tpu.memory_space<vmem>>, vector<64x5xf32>
    %dot_general3A_54 = arith.constant dense<0.000000e+00> : vector<64x5xf32>
    %dot_general3A_55 = tpu.matmul %div3A_48, %get3A_53, %dot_general3A_54 {dimension_numbers = #tpu.dot_dimension_numbers<[1], [0], [0], [1], [0, 0, 1, 1], [], []>, transpose_lhs_hint = false} : vector<64x64xf32>, vector<64x5xf32>, vector<64x5xf32> -> vector<64x5xf32>
    %get3A_56 = arith.constant 0 : index
    %get3A_57 = arith.constant 0 : index
    %get3A_58 = vector.load %arg8[%get3A_56, %get3A_57] : memref<1x5xf32, #tpu.memory_space<vmem>>, vector<1x5xf32>
    %add3A_59 = vector.broadcast %get3A_58 : vector<1x5xf32> to vector<64x5xf32>
    %add3A_60 = arith.addf %dot_general3A_55, %add3A_59 : vector<64x5xf32>
    %swap3A_61 = arith.constant 0 : index
    %swap3A_62 = arith.constant 0 : index
    %swap3A_63 = vector.load %arg10[%swap3A_61, %swap3A_62] : memref<64x5xf32, #tpu.memory_space<vmem>>, vector<64x5xf32>
    tpu.vector_store %arg10[%swap3A_61, %swap3A_62], %add3A_60 {strides = array<i32>} : memref<64x5xf32, #tpu.memory_space<vmem>>, vector<64x5xf32>,
    return
  }
}

</mosaic_0001>

<sc_bundles>
// kernel: kernel.10.cloned.1.call-start
scs
__scs_entry_jumppad:
0x0: {  	(pc) =	sbr.rel $0x88, $3  }
0x1: {  	(tag) =	ssettag $0x0;
	lr =	simm.s32 $0x1  }
0x2: {  	[smem:$0x3F90] =	sst lr;
	_ =	strace $0xD0000000  }
0x3: {  	_ = 	snop  }
0x4: {  	_ = 	snop  }
0x5: {  	_ = 	snop  }
0x6: {  	_ = 	snop  }
0x7: {  	_ = 	snop  }
__scs_overlays_trampoline_lowered:
0x8: {  	[smem:$0x3F9F] =	sst s0  }
0x9: {  	[smem:$0x3FA0] =	sst s1  }
0xa: {  	[smem:$0x3FA1] =	sst s2  }
0xb: {  	[smem:$0x3FA2] =	sst s3  }
0xc: {  	[smem:$0x3FA3] =	sst s4  }
0xd: {  	[smem:$0x3FA4] =	sst s5  }
0xe: {  	[smem:$0x3FA5] =	sst s6  }
0xf: {  	[smem:$0x3FA6] =	sst s7  }
0x10: {  	[smem:$0x3FA7] =	sst s8  }
0x11: {  	[smem:$0x3FA8] =	sst s9;
	s0 =	simm.s32 @!p0 $0x0  }
0x12: {  	s1 =	sld [smem:$0x3F8E];
	s0 =	simm.s32 @p0 $0x1  }
0x13: {  	[smem:$0x3FA9] =	sst s0;
	s0 =	simm.s32 @!p1 $0x0  }
0x14: {  	s2 =	sld [smem:$0x3F8D];
	s0 =	simm.s32 @p1 $0x1  }
0x15: {  	[smem:$0x3FAA] =	sst s0;
	s0 =	simm.s32 @!p2 $0x0  }
0x16: {  	s3 =	sld [smem:$0x3FDB];
	s0 =	simm.s32 @p2 $0x1  }
0x17: {  	s4 =	simm.s32 $0x1BF5;
	[smem:$0x3FAC] =	sst s0  }
0x18: {  	s0 =	sld [smem:$0x3F8F];
	_ =	swait.ge [sflag:s4], $0x0  }
0x19: {  	s7 =	sld [smem:$0x3F90]  }
0x1a: {  	s8 =	sadd.s32 $0xFFFFE003, lr  }
0x1b: {  	s9 =	sadd.s32 $0xFFFFFEF7, lr;
	s5 =	simm.s32 $0xFFFFFFFF;
	p2 =	slt.u32 s8, $0xFFFFF086  }
0x1c: {  	p1 =	slt.u32 s9, $0xF7A;
	s5 =	simm.s32 @!p2 $0x0  }
0x1d: {  	s5 =	simm.s32 @p1 $0x1;
	p0 =	seq.s32 s7, s2  }
0x1e: {  	s7 =	smul.u32 @!p0 $0xF7A, s2;
	p2 =	seq.s32 @!p0 s5, $0x0  }
0x1f: {  	s9 =	smul.u32 $0xF7A, s1;
	s8 =	simm.s32 @!p0 $0x1BF5;
	p2 =	por !p2, p0  }
0x20: {  	[sflag:s8] =	ssyncset.s32 @!p0 $0xFFFFF086;
	s6 =	sadd.s32 @!p0 s3, s7;
	s7 =	simm.s32 @!p0 $0x108  }
0x21: {  	s3 =	sadd.s32 s3, s9;
	s6 =	sadd.s32 @!p0 $0x88, s6;
	s7 =	simm.s32 @p2 $0x1082  }
0x22: {  	[simem:s7], [sflag:s8] =	dma.local @!p0 [hbm:s6], $0xF7A  }
0x23: {  	s9 =	sor.u32 $0xD0000000, s2;
	s6 =	simm.s32 $0x108;
	_ =	swait.ge @!p0 [sflag:s8], $0x0  }
0x24: {  	s3 =	sadd.s32 $0x88, s3;
	s6 =	simm.s32 @!p1 $0x1082;
	[sflag:s4] =	ssyncset.s32 $0xFFFFF086  }
0x25: {  	[simem:s6], [sflag:s4] =	dma.local [hbm:s3], $0xF7A  }
0x26: {  	[smem:$0x3F90] =	sst s1;
	(tag) =	ssettag s2;
	_ =	strace s9  }
0x27: {  	s1 =	sld [smem:$0x3FA0]  }
0x28: {  	s2 =	sld [smem:$0x3FA1]  }
0x29: {  	s4 =	sld [smem:$0x3FA3]  }
0x2a: {  	p0 =	seq.s32 s5, $0x0;
	s5 =	sld [smem:$0x3FA4]  }
0x2b: {  	s6 =	sld [smem:$0x3FA5]  }
0x2c: {  	s7 =	sld [smem:$0x3FA6]  }
0x2d: {  	s3 =	simm.s32 $0x108;
	s8 =	sld [smem:$0x3FA7]  }
0x2e: {  	s3 =	simm.s32 @!p0 $0x1082;
	s9 =	sld [smem:$0x3FA8]  }
0x2f: {  	lr =	sadd.s32 s0, s3;
	s0 =	sld [smem:$0x3F9F]  }
0x30: {  	s3 =	sld [smem:$0x3FA2]  }
0x31: {  	[smem:$0x3FAB] =	sst s10  }
0x32: {  	s10 =	sld [smem:$0x3FA9];
	_ =	sdelay $0x3  }
0x33: {  	p0 =	seq.s32 s10, $0x1;
	s10 =	sld [smem:$0x3FAB];
	_ =	sdelay $0x3  }
0x34: {  	[smem:$0x3FAB] =	sst s10  }
0x35: {  	s10 =	sld [smem:$0x3FAA];
	_ =	sdelay $0x3  }
0x36: {  	p1 =	seq.s32 s10, $0x1;
	s10 =	sld [smem:$0x3FAB];
	_ =	sdelay $0x3  }
0x37: {  	[smem:$0x3FAB] =	sst s10  }
0x38: {  	s10 =	sld [smem:$0x3FAC]  }
0x39: {  	_ = 	snop;
	(pc) =	sbr.ind lr, $3  }
0x3a: {  	_ = 	snop  }
0x3b: {  	_ = 	snop  }
0x3c: {  	p2 =	seq.s32 s10, $0x1;
	s10 =	sld [smem:$0x3FAB]  }
0x3d: {  	_ =	shalt  }
0x3e: {  	_ =	shalt  }
0x3f: {  	_ =	shalt  }
0x40: {  	_ =	shalt  }
0x41: {  	_ =	shalt  }
0x42: {  	_ =	shalt  }
0x43: {  	_ =	shalt  }
0x44: {  	_ =	shalt  }
0x45: {  	_ =	shalt  }
0x46: {  	_ =	shalt  }
0x47: {  	_ =	shalt  }
0x48: {  	_ =	shalt  }
0x49: {  	_ =	shalt  }
0x4a: {  	_ =	shalt  }
0x4b: {  	_ =	shalt  }
0x4c: {  	_ =	shalt  }
0x4d: {  	_ =	shalt  }
0x4e: {  	_ =	shalt  }
0x4f: {  	_ =	shalt  }
0x50: {  	_ =	shalt  }
0x51: {  	_ =	shalt  }
0x52: {  	_ =	shalt  }
0x53: {  	_ =	shalt  }
0x54: {  	_ =	shalt  }
0x55: {  	_ =	shalt  }
0x56: {  	_ =	shalt  }
0x57: {  	_ =	shalt  }
0x58: {  	_ =	shalt  }
0x59: {  	_ =	shalt  }
0x5a: {  	_ =	shalt  }
0x5b: {  	_ =	shalt  }
0x5c: {  	_ =	shalt  }
0x5d: {  	_ =	shalt  }
0x5e: {  	_ =	shalt  }
0x5f: {  	_ =	shalt  }
0x60: {  	_ =	shalt  }
0x61: {  	_ =	shalt  }
0x62: {  	_ =	shalt  }
0x63: {  	_ =	shalt  }
0x64: {  	_ =	shalt  }
0x65: {  	_ =	shalt  }
0x66: {  	_ =	shalt  }
0x67: {  	_ =	shalt  }
0x68: {  	_ =	shalt  }
0x69: {  	_ =	shalt  }
0x6a: {  	_ =	shalt  }
0x6b: {  	_ =	shalt  }
0x6c: {  	_ =	shalt  }
0x6d: {  	_ =	shalt  }
0x6e: {  	_ =	shalt  }
0x6f: {  	_ =	shalt  }
0x70: {  	_ =	shalt  }
0x71: {  	_ =	shalt  }
0x72: {  	_ =	shalt  }
0x73: {  	_ =	shalt  }
0x74: {  	_ =	shalt  }
0x75: {  	_ =	shalt  }
0x76: {  	_ =	shalt  }
0x77: {  	_ =	shalt  }
0x78: {  	_ =	shalt  }
0x79: {  	_ =	shalt  }
0x7a: {  	_ =	shalt  }
0x7b: {  	_ =	shalt  }
0x7c: {  	_ =	shalt  }
0x7d: {  	_ =	shalt  }
0x7e: {  	_ =	shalt  }
0x7f: {  	_ =	shalt  }
0x80: {  	_ =	shalt  }
0x81: {  	_ =	shalt  }
0x82: {  	_ =	shalt  }
0x83: {  	_ =	shalt  }
0x84: {  	_ =	shalt  }
0x85: {  	_ =	shalt  }
0x86: {  	_ =	shalt  }
0x87: {  	_ =	shalt  }
.Lfunc_end0:
.L_simem_size_0:
called_computation.1_lowered:
.L_overlay_start_0:
0x88: {  	s2 =	sld [smem:$0x3FD9]  }
0x89: {  	s3 =	sld [smem:$0x3FFE];
	_ =	sdelay $0x1  }
0x8a: {  	s1 =	srdreg.scid  }
0x8b: {  	s0 =	sand.u32 $0x1, s1  }
0x8c: {  	s16 =	sshll.u32 s0, $0xA;
	s2 =	sadd.s32 s3, s2  }
0x8d: {  	s2 =	sadd.s32 s2, s16  }
0x8e: {  	[smem:$0x3FB7] =	sst s2  }
0x8f: {  	_ = 	snop  }
0x90: {  	(tm) =	ssettm $0x1  }
0x91: {  	s17 =	sld [smem:$0x3FFB];
	_ =	sdelay $0x3  }
0x92: {  	_ =	strace s17  }
0x93: {  	s2 =	sld [smem:$0x3FFC];
	_ =	sdelay $0x3  }
0x94: {  	_ =	strace s2  }
0x95: {  	s2 =	sld [smem:$0x3FFD];
	_ =	sdelay $0x3  }
0x96: {  	_ =	strace s2  }
0x97: {  	_ =	strace $0x8FFFFFFF  }
0x98: {  	s18 =	sld [smem:$0x3FDB];
	_ =	sdelay $0x1  }
0x99: {  	s19 =	simm.s32 $_scs_section_size  }
0x9a: {  	s4 =	simm.s32 $_size__tile_overlayer_lowered;
	s5 =	simm.s32 $_tile_overlayer_lowered  }
0x9b: {  	s22 =	simm.s32 $0x1BFF;
	s21 =	sshll.u32 s5, $0x1;
	s2 =	sadd.s32 s19, s18  }
0x9c: {  	s6 =	simm.s32 $0x0;
	s20 =	sshll.u32 s4, $0x1;
	s4 =	sadd.s32 s21, s2  }
0x9d: {  	[timem:s6], [sflag:s22] =	dma.local [hbm:s4], s20  }
0x9e: {  	_ =	swait.ge [sflag:s22], s20  }
0x9f: {  	s3 =	ssub.s32 $0x0, s20;
	[sflag:s22] =	ssyncset.done $0x0  }
0xa0: {  	[sflag:s22] =	ssyncadd.s32 s3;
	_ =	sdelay $0x1  }
0xa1: {  	s23 =	simm.s32 $0x1B8B  }
0xa2: {  	_ =	swait.ge [sflag:s23], $0x1  }
0xa3: {  	[sflag:s23] =	ssyncset.done $0x0  }
0xa4: {  	s25 =	simm.s32 $0x1B8E;
	s24 =	sld [smem:$0x3FFE];
	[sflag:s23] =	ssyncadd.s32 $0xFFFFFFFF  }
0xa5: {  	s26 =	simm.s32 $execute0_lowered;
	[smem:$0x3FD2] =	sst s25  }
0xa6: {  	s4 =	sshll.u32 s26, $0x1;
	_ =	strace $0x80000049;
	[dreg:$0x1] =	wrdreg $0xFFFFFFFF  }
0xa7: {  	s28 =	simm.s32 $_size_execute0_lowered;
	s2 =	sadd.s32 s2, s4;
	[dreg:$0x0] =	wrdreg $0x0  }
0xa8: {  	s4 =	sshll.u32 s28, $0x1;
	[dreg:$0x2] =	wrdreg s2  }
0xa9: {  	[dreg:$0x3] =	wrdreg s4  }
0xaa: {  	[dreg:$0x4] =	wrdreg $0xC0  }
0xab: {  	_ =	task [dreg:s6], $0x5FFFF  }
0xac: {  	[dreg:$0x1] =	wrdreg $0xFFFFFFFF  }
0xad: {  	[dreg:$0x0] =	wrdreg $0x60  }
0xae: {  	[dreg:$0x2] =	wrdreg s24  }
0xaf: {  	[dreg:$0x3] =	wrdreg $0x9E000  }
0xb0: {  	[dreg:$0x4] =	wrdreg $0x0  }
0xb1: {  	[dreg:$0x5] =	wrdreg $0x9  }
0xb2: {  	_ =	task.clear_ibuf [dreg:s6], $0x6FFFF;
	_ =	strace $0x90000049  }
0xb3: {  	s29 =	simm.s32 $0x9;
	_ =	strace $0x8000004B  }
0xb4: {  	_ =	swait.ge [sflag:s29], $0x1  }
0xb5: {  	[sflag:s29] =	ssyncadd.s32 $0xFFFFFFFF  }
0xb6: {  	_ =	strace $0x9000004B  }
0xb7: {  	_ =	sfence  }
0xb8: {  	s30 =	sld [smem:$0x0];
	_ =	sdelay $0x2  }
0xb9: {  	s31 =	sshll.u32 s1, $0xD;
	s1 =	sshrl.u32 s1, $0x2  }
0xba: {  	s3 =	sand.u32 $0x4000, s31;
	s1 =	sadd.s32 s1, s30  }
0xbb: {  	s0 =	sor.u32 s3, s0;
	s1 =	sshll.u32 s1, $0x11  }
0xbc: {  	s0 =	sor.u32 s1, s0  }
0xbd: {  	s0 =	sadd.s32 $0x8F2B, s0  }
0xbe: {  	[sflag:s0] =	ssyncadd.remote.s32 $0x1  }
0xbf: {  	_ =	sfence.sel $0xFFFF  }
0xc0: {  	[dreg:$0x0] =	wrdreg $0xFFFFFFFF;
	(pc) =	sbr.abs _section_cstart, $3  }
0xc1: {  	[dreg:$0x1] =	wrdreg $0xFFFFFFFF  }
0xc2: {  	_ =	task.clear_ibuf [dreg:s6], $0x2FFFF;
	_ =	strace $0x9FFFFFFF  }
0xc3: {  	(tm) =	ssettm $0x7FFFFFFF  }
tec
execute0_lowered:
.L_overlay_start_1:
0x0: {  	(tag) =	ssettag $0x1  }
0x1: {  	s8 =	rddreg [dreg:$0x0]  }
0x2: {  	s0 =	srdreg.scid;
	s2 =	rddreg [dreg:$0x1]  }
0x3: {  	s17 =	stileid.u32;
	s3 =	rddreg [dreg:$0x2]  }
0x4: {  	s4 =	simm.s32 $0x0;
	s13 =	simm.s32 $0x13C00;
	s14 =	simm.s32 $0x3  }
0x5: {  	s15 =	simm.s32 $0x16310;
	s22 =	simm.s32 $0x2;
	s23 =	simm.s32 $0xC8  }
0x6: {  	s25 =	simm.s32 $0x1;
	s29 =	simm.s32 $0x0;
	s0 =	sand.u32 $0x1, s0  }
0x7: {  	s1 =	sshll.u32 s17, $0x1;
	s9 =	smul.u32 $0x9E00, s17;
	[smem:$0x7FF] =	sst s4  }
0x8: {  	s16 =	sadd.s32 $0x94200, s2;
	p0 =	seq.s32 s17, $0xF;
	s1 =	sor.u32 s0, s1  }
0x9: {  	s5 =	smul.u32 $0x9E000, s0;
	_ =	strace $0x8000004A;
	s0 =	ssub.s32 $0x2, s0  }
0xa: {  	s16 =	sshrl.u32 @p0 s16, $0x3;
	s19 =	sshll.u32 @!p0 s17, $0x6;
	s1 =	smul.u32 $0x4E2, s1  }
0xb: {  	s6 =	sshrl.u32 s9, $0x3;
	s30 =	sshrl.u32 s0, $0x1;
	s19 =	sor.u32 @!p0 $0x1C02, s19  }
0xc: {  	s5 =	sadd.s32 s9, s5;
	s10 =	sadd.s32 s6, s8;
	s0 =	ssub.s32 s0, s30  }
0xd: {  	s1 =	sadd.s32 s1, s8;
	s5 =	sshrl.u32 s5, $0x3;
	s7 =	sadd.s32 $0x15A00, s10  }
0xe: {  	s10 =	sadd.s32 $0x29400, s10;
	s12 =	smax.u32 s0, $0x1;
	s0 =	sshll.u32 @p0 s17, $0x6  }
0xf: {  	s11 =	sadd.s32 s5, s8;
	s31 =	sadd.s32 $0xBC00, s1;
	s6 =	sadd.s32 $0x1E00, s1  }
0x10: {  	s1 =	sadd.s32 s9, s2;
	s8 =	sadd.s32 $0x28240, s8;
	s9 =	sadd.s32 s9, s3  }
0x11: {  	s17 =	sor.u32 @p0 $0x1C02, s0;
	[dreg:$0x4] =	wrdreg s31;
	s11 =	sadd.s32 $0x3D000, s11  }
0x12: {  	s18 =	sshrl.u32 @p0 s9, $0x3;
	s20 =	sshrl.u32 @!p0 s1, $0x3;
	s21 =	sshrl.u32 @!p0 s9, $0x3  }
.LBB2_1:
0x13: {  	s0 =	rddreg [dreg:$0x4]  }
0x14: {  	[tilespmem:s13], [sflag:$0x3] =	stream.linear.gather [hbm4b:s0+s4], $0x2710, $0x38;
	[tilespmem:$0x1EE20] =	vst v63  }
0x15: {  	_ =	swait.ge [sflag:s14], $0x2710  }
0x16: {  	[sflag:s14] =	ssyncset.done $0x0  }
0x17: {  	[sflag:s14] =	ssyncadd.s32 $0xFFFFD8F0  }
0x18: {  	[tilespmem:s15], [sflag:$0x3] =	stream.linear.gather [hbm4b:s6+s4], $0x2710, $0x38;
	[tilespmem:$0x1EE20] =	vst v63  }
0x19: {  	_ =	swait.ge [sflag:s14], $0x2710  }
0x1a: {  	[sflag:s14] =	ssyncset.done $0x0  }
0x1b: {  	s0 =	simm.s32 @p0 $0x1FC2;
	[sflag:s14] =	ssyncadd.s32 $0xFFFFD8F0  }
0x1c: {  	[spmem:s16], [sflag:s0] =	dma.local @p0 [hbm:s8], $0x1040  }
0x1d: {  	s0 =	simm.s32 @p0 $0x2  }
0x1e: {  	[spmem:s18], [sflag:s17] =	dma.local @p0 [hbm:s10], $0x13C0  }
0x1f: {  	_ =	swait.ge @p0 [sflag:s0], $0x1040  }
0x20: {  	[sflag:s0] =	ssyncset.done @p0 $0x0  }
0x21: {  	[sflag:s0] =	ssyncadd.s32 @p0 $0xFFFFEFC0;
	s0 =	simm.s32 @!p0 $0x2  }
0x22: {  	[spmem:s20], [sflag:s19] =	dma.local @!p0 [hbm:s7], $0x13C0  }
0x23: {  	[spmem:s21], [sflag:s19] =	dma.local @!p0 [hbm:s10], $0x13C0  }
0x24: {  	_ =	swait.ge @!p0 [sflag:s0], $0x13C0  }
0x25: {  	[sflag:s0] =	ssyncset.done @!p0 $0x0  }
0x26: {  	s28 =	sand.u32 $0x1, s4;
	[sflag:s0] =	ssyncadd.s32 @!p0 $0xFFFFEC40  }
0x27: {  	s1 =	sxor.u32 $0x1, s28;
	_ =	swait.ge [sflag:s22], $0x13C0  }
0x28: {  	s1 =	smul.u32 $0xC800, s1;
	[sflag:s22] =	ssyncset.done $0x0  }
0x29: {  	s5 =	simm.s32 $0x18A20;
	[sflag:s22] =	ssyncadd.s32 $0xFFFFEC40  }
0x2a: {  	s24 =	simm.s32 $0x13CC8;
	s1 =	sshrl.u32 s1, $0x2;
	[bflag:$0x0] =	sbarrier.arrive $0xFFFF  }
0x2b: {  	[tilespmem:s5], [sflag:$0x1] =	stream.indirect.gather [spmem:s2], $0x40, s13, s23, $0xb8;
	[tilespmem:$0x1EE20] =	vst v63  }
0x2c: {  	s26 =	simm.s32 $0x1;
	s1 =	sadd.s32 $0x18A20, s1;
	s0 =	smul.u32 $0xC800, s28  }
0x2d: {  	[tilespmem:s1], [sflag:$0x1] =	stream.indirect.gather [spmem:s2], $0x40, s24, s23, $0xb8;
	[tilespmem:$0x1EE20] =	vst v63  }
0x2e: {  	s0 =	sshrl.u32 s0, $0x2;
	s1 =	sand.u32 $0x1, s26;
	_ =	swait.ge [sflag:s25], $0x3200  }
0x2f: {  	s28 =	sxor.u32 $0x1, s1;
	s1 =	smul.u32 $0xC800, s1;
	[sflag:s25] =	ssyncset.done $0x0  }
0x30: {  	s0 =	sadd.s32 $0x18A20, s0;
	s24 =	smul.u32 $0xC800, s28;
	[sflag:s25] =	ssyncadd.s32 $0xFFFFCE00  }
0x31: {  	[spmem:s3] =	stream.indirect.scatter.add.f32 [tilespmem:s0], [sflag:$0x3], $0x40, s15, s23, $0xb8;
	[tilespmem:$0x1EE20] =	vst v63  }
0x32: {  	s31 =	simm.s32 $0x13D90;
	s30 =	simm.s32 $0x163D8;
	s0 =	simm.s32 $0x2  }
.LBB2_2:
0x33: {  	s24 =	sshrl.u32 s24, $0x2;
	s1 =	sshrl.u32 s1, $0x2  }
0x34: {  	_ =	swait.ge [sflag:s14], $0x3200;
	s26 =	smov.u32 s0;
	s28 =	smov.u32 s30  }
0x35: {  	s5 =	sadd.s32 $0x1, s0;
	s24 =	sadd.s32 $0x18A20, s24;
	[sflag:s14] =	ssyncset.done $0x0  }
0x36: {  	p1 =	sne.s32 s0, $0x30;
	[sflag:s14] =	ssyncadd.s32 $0xFFFFCE00  }
0x37: {  	[tilespmem:s24], [sflag:$0x1] =	stream.indirect.gather [spmem:s2], $0x40, s31, s23, $0xb8;
	[tilespmem:$0x1EE20] =	vst v63  }
.Ltmp0:
0x38: {  	s30 =	sadd.s32 $0xC8, s30;
	s31 =	sadd.s32 $0xC8, s31;
	(pc) =	sbr.rel @p1 .LBB2_2-.Ltmp0, $4  }
0x39: {  	s0 =	sand.u32 $0x1, s26;
	s26 =	sadd.s32 $0x18A20, s1;
	_ =	swait.ge [sflag:s25], $0x3200  }
0x3a: {  	s1 =	smul.u32 $0xC800, s0;
	s24 =	sxor.u32 $0x1, s0;
	[sflag:s25] =	ssyncset.done $0x0  }
0x3b: {  	s0 =	smov.u32 s5;
	s24 =	smul.u32 $0xC800, s24;
	[sflag:s25] =	ssyncadd.s32 $0xFFFFCE00  }
0x3c: {  	[spmem:s3] =	stream.indirect.scatter.add.f32 [tilespmem:s26], [sflag:$0x3], $0x40, s28, s23, $0xb8;
	[tilespmem:$0x1EE20] =	vst v63  }
0x3d: {  	_ =	swait.ge [sflag:s14], $0x3200  }
0x3e: {  	s0 =	sshrl.u32 s24, $0x2;
	[sflag:s14] =	ssyncset.done $0x0  }
0x3f: {  	s0 =	sadd.s32 $0x18A20, s0;
	[sflag:s14] =	ssyncadd.s32 $0xFFFFCE00  }
0x40: {  	[tilespmem:s0], [sflag:$0x1] =	stream.indirect.gather [spmem:s2], $0x40, s31, s23, $0xb8;
	[tilespmem:$0x1EE20] =	vst v63  }
0x41: {  	_ =	swait.ge [sflag:s25], $0x3200  }
0x42: {  	s24 =	sshrl.u32 s1, $0x2;
	[sflag:s25] =	ssyncset.done $0x0  }
0x43: {  	s0 =	sadd.s32 $0x18A20, s24;
	[sflag:s25] =	ssyncadd.s32 $0xFFFFCE00  }
0x44: {  	[spmem:s3] =	stream.indirect.scatter.add.f32 [tilespmem:s0], [sflag:$0x3], $0x40, s30, s23, $0xb8;
	[tilespmem:$0x1EE20] =	vst v63  }
0x45: {  	_ =	swait.ge [sflag:s14], $0x3200  }
0x46: {  	[sflag:s14] =	ssyncset.done $0x0  }
0x47: {  	[sflag:s14] =	ssyncadd.s32 $0xFFFFCE00  }
0x48: {  	_ =	swait.ge [sflag:s25], $0x3200  }
0x49: {  	[sflag:s25] =	ssyncset.done $0x0  }
0x4a: {  	s26 =	simm.s32 $0x18958;
	s28 =	simm.s32 $0x1BC20;
	[sflag:s25] =	ssyncadd.s32 $0xFFFFCE00  }
0x4b: {  	[spmem:s3] =	stream.indirect.scatter.add.f32 [tilespmem:s28], [sflag:$0x3], $0x40, s26, s23, $0xb8;
	[tilespmem:$0x1EE20] =	vst v63  }
0x4c: {  	s29 =	sadd.s32 $0x1, s29;
	_ =	swait.ge [sflag:s14], $0x3200  }
0x4d: {  	p1 =	sne.s32 s29, s12;
	s30 =	stileid.u32;
	[sflag:s14] =	ssyncset.done $0x0  }
0x4e: {  	s31 =	sshrl.u32 s9, $0x3;
	s0 =	sshll.u32 s30, $0x6;
	[sflag:s14] =	ssyncadd.s32 $0xFFFFCE00  }
.Ltmp1:
0x4f: {  	s0 =	sor.u32 $0x1C03, s0;
	[bflag:$0x0] =	sbarrier.arrive $0xFFFF;
	(pc) =	sbr.rel @p1 .LBB2_1-.Ltmp1, $4  }
0x50: {  	[hbm:s11], [sflag:s0] =	dma.local [spmem:s31], $0x13C0  }
0x51: {  	_ =	swait.ge [sflag:s14], $0x13C0  }
0x52: {  	[sflag:s14] =	ssyncset.done $0x0  }
0x53: {  	[sflag:s14] =	ssyncadd.s32 $0xFFFFEC40  }
0x54: {  	_ =	sfence.sel $0x180000  }
0x55: {  	[bflag:$0x0] =	sbarrier.arrive $0xFFFF  }
0x56: {  	_ =	strace $0x9000004A  }
0x57: {  	s0 =	stileid.u32;
	[bflag:$0x2] =	sbarrier.arrive $0xFFFF  }
0x58: {  	p0 =	sne.s32 s0, $0x0;
	s0 =	rddreg [dreg:$0x3]  }
0x59: {  	s0 =	sadd.s32 @!p0 $0x100000, s0  }
0x5a: {  	[sflag:s0] =	ssyncadd.tile.s32 @!p0 $0x1;
	_ =	shalt  }
.Lfunc_end2:
_tile_overlayer_lowered:
.L_overlay_start_2:
0x5b: {  	(tag) =	ssettag $0x2  }
0x5c: {  	s0 =	rddreg [dreg:$0x0];
	s2 =	stileid.u32  }
0x5d: {  	s1 =	rddreg [dreg:$0x1];
	p0 =	sne.s32 s2, $0x0  }
0x5e: {  	s3 =	rddreg [dreg:$0x2];
	[bflag:$0x3] =	sbarrier.arrive $0xFFFF;
	s2 =	simm.s32 @!p0 $0x1C03  }
0x5f: {  	[timem:s3], [sflag:s2] =	dma.local @!p0 [hbm:s0], s1  }
0x60: {  	s0 =	simm.s32 @!p0 $0x3  }
0x61: {  	_ =	swait.ge @!p0 [sflag:s0], s1  }
0x62: {  	s1 =	ssub.s32 @!p0 $0x0, s1;
	[sflag:s0] =	ssyncset.done @!p0 $0x0  }
0x63: {  	[sflag:s0] =	ssyncadd.s32 @!p0 s1  }
0x64: {  	[bflag:$0x3] =	sbarrier.arrive $0xFFFF  }
0x65: {  	_ =	shalt  }

// kernel: kernel.7.cloned.1.call-start
scs
__scs_entry_jumppad:
0x0: {  	(pc) =	sbr.rel $0x88, $3  }
0x1: {  	(tag) =	ssettag $0x0;
	lr =	simm.s32 $0x1  }
0x2: {  	[smem:$0x3F90] =	sst lr;
	_ =	strace $0xD0000000  }
0x3: {  	_ = 	snop  }
0x4: {  	_ = 	snop  }
0x5: {  	_ = 	snop  }
0x6: {  	_ = 	snop  }
0x7: {  	_ = 	snop  }
__scs_overlays_trampoline_lowered:
0x8: {  	[smem:$0x3F9F] =	sst s0  }
0x9: {  	[smem:$0x3FA0] =	sst s1  }
0xa: {  	[smem:$0x3FA1] =	sst s2  }
0xb: {  	[smem:$0x3FA2] =	sst s3  }
0xc: {  	[smem:$0x3FA3] =	sst s4  }
0xd: {  	[smem:$0x3FA4] =	sst s5  }
0xe: {  	[smem:$0x3FA5] =	sst s6  }
0xf: {  	[smem:$0x3FA6] =	sst s7  }
0x10: {  	[smem:$0x3FA7] =	sst s8  }
0x11: {  	[smem:$0x3FA8] =	sst s9;
	s0 =	simm.s32 @!p0 $0x0  }
0x12: {  	s1 =	sld [smem:$0x3F8E];
	s0 =	simm.s32 @p0 $0x1  }
0x13: {  	[smem:$0x3FA9] =	sst s0;
	s0 =	simm.s32 @!p1 $0x0  }
0x14: {  	s2 =	sld [smem:$0x3F8D];
	s0 =	simm.s32 @p1 $0x1  }
0x15: {  	[smem:$0x3FAA] =	sst s0;
	s0 =	simm.s32 @!p2 $0x0  }
0x16: {  	s3 =	sld [smem:$0x3FDB];
	s0 =	simm.s32 @p2 $0x1  }
0x17: {  	s4 =	simm.s32 $0x1BF5;
	[smem:$0x3FAC] =	sst s0  }
0x18: {  	s0 =	sld [smem:$0x3F8F];
	_ =	swait.ge [sflag:s4], $0x0  }
0x19: {  	s7 =	sld [smem:$0x3F90]  }
0x1a: {  	s8 =	sadd.s32 $0xFFFFE003, lr  }
0x1b: {  	s9 =	sadd.s32 $0xFFFFFEF7, lr;
	s5 =	simm.s32 $0xFFFFFFFF;
	p2 =	slt.u32 s8, $0xFFFFF086  }
0x1c: {  	p1 =	slt.u32 s9, $0xF7A;
	s5 =	simm.s32 @!p2 $0x0  }
0x1d: {  	s5 =	simm.s32 @p1 $0x1;
	p0 =	seq.s32 s7, s2  }
0x1e: {  	s7 =	smul.u32 @!p0 $0xF7A, s2;
	p2 =	seq.s32 @!p0 s5, $0x0  }
0x1f: {  	s9 =	smul.u32 $0xF7A, s1;
	s8 =	simm.s32 @!p0 $0x1BF5;
	p2 =	por !p2, p0  }
0x20: {  	[sflag:s8] =	ssyncset.s32 @!p0 $0xFFFFF086;
	s6 =	sadd.s32 @!p0 s3, s7;
	s7 =	simm.s32 @!p0 $0x108  }
0x21: {  	s3 =	sadd.s32 s3, s9;
	s6 =	sadd.s32 @!p0 $0x88, s6;
	s7 =	simm.s32 @p2 $0x1082  }
0x22: {  	[simem:s7], [sflag:s8] =	dma.local @!p0 [hbm:s6], $0xF7A  }
0x23: {  	s9 =	sor.u32 $0xD0000000, s2;
	s6 =	simm.s32 $0x108;
	_ =	swait.ge @!p0 [sflag:s8], $0x0  }
0x24: {  	s3 =	sadd.s32 $0x88, s3;
	s6 =	simm.s32 @!p1 $0x1082;
	[sflag:s4] =	ssyncset.s32 $0xFFFFF086  }
0x25: {  	[simem:s6], [sflag:s4] =	dma.local [hbm:s3], $0xF7A  }
0x26: {  	[smem:$0x3F90] =	sst s1;
	(tag) =	ssettag s2;
	_ =	strace s9  }
0x27: {  	s1 =	sld [smem:$0x3FA0]  }
0x28: {  	s2 =	sld [smem:$0x3FA1]  }
0x29: {  	s4 =	sld [smem:$0x3FA3]  }
0x2a: {  	p0 =	seq.s32 s5, $0x0;
	s5 =	sld [smem:$0x3FA4]  }
0x2b: {  	s6 =	sld [smem:$0x3FA5]  }
0x2c: {  	s7 =	sld [smem:$0x3FA6]  }
0x2d: {  	s3 =	simm.s32 $0x108;
	s8 =	sld [smem:$0x3FA7]  }
0x2e: {  	s3 =	simm.s32 @!p0 $0x1082;
	s9 =	sld [smem:$0x3FA8]  }
0x2f: {  	lr =	sadd.s32 s0, s3;
	s0 =	sld [smem:$0x3F9F]  }
0x30: {  	s3 =	sld [smem:$0x3FA2]  }
0x31: {  	[smem:$0x3FAB] =	sst s10  }
0x32: {  	s10 =	sld [smem:$0x3FA9];
	_ =	sdelay $0x3  }
0x33: {  	p0 =	seq.s32 s10, $0x1;
	s10 =	sld [smem:$0x3FAB];
	_ =	sdelay $0x3  }
0x34: {  	[smem:$0x3FAB] =	sst s10  }
0x35: {  	s10 =	sld [smem:$0x3FAA];
	_ =	sdelay $0x3  }
0x36: {  	p1 =	seq.s32 s10, $0x1;
	s10 =	sld [smem:$0x3FAB];
	_ =	sdelay $0x3  }
0x37: {  	[smem:$0x3FAB] =	sst s10  }
0x38: {  	s10 =	sld [smem:$0x3FAC]  }
0x39: {  	_ = 	snop;
	(pc) =	sbr.ind lr, $3  }
0x3a: {  	_ = 	snop  }
0x3b: {  	_ = 	snop  }
0x3c: {  	p2 =	seq.s32 s10, $0x1;
	s10 =	sld [smem:$0x3FAB]  }
0x3d: {  	_ =	shalt  }
0x3e: {  	_ =	shalt  }
0x3f: {  	_ =	shalt  }
0x40: {  	_ =	shalt  }
0x41: {  	_ =	shalt  }
0x42: {  	_ =	shalt  }
0x43: {  	_ =	shalt  }
0x44: {  	_ =	shalt  }
0x45: {  	_ =	shalt  }
0x46: {  	_ =	shalt  }
0x47: {  	_ =	shalt  }
0x48: {  	_ =	shalt  }
0x49: {  	_ =	shalt  }
0x4a: {  	_ =	shalt  }
0x4b: {  	_ =	shalt  }
0x4c: {  	_ =	shalt  }
0x4d: {  	_ =	shalt  }
0x4e: {  	_ =	shalt  }
0x4f: {  	_ =	shalt  }
0x50: {  	_ =	shalt  }
0x51: {  	_ =	shalt  }
0x52: {  	_ =	shalt  }
0x53: {  	_ =	shalt  }
0x54: {  	_ =	shalt  }
0x55: {  	_ =	shalt  }
0x56: {  	_ =	shalt  }
0x57: {  	_ =	shalt  }
0x58: {  	_ =	shalt  }
0x59: {  	_ =	shalt  }
0x5a: {  	_ =	shalt  }
0x5b: {  	_ =	shalt  }
0x5c: {  	_ =	shalt  }
0x5d: {  	_ =	shalt  }
0x5e: {  	_ =	shalt  }
0x5f: {  	_ =	shalt  }
0x60: {  	_ =	shalt  }
0x61: {  	_ =	shalt  }
0x62: {  	_ =	shalt  }
0x63: {  	_ =	shalt  }
0x64: {  	_ =	shalt  }
0x65: {  	_ =	shalt  }
0x66: {  	_ =	shalt  }
0x67: {  	_ =	shalt  }
0x68: {  	_ =	shalt  }
0x69: {  	_ =	shalt  }
0x6a: {  	_ =	shalt  }
0x6b: {  	_ =	shalt  }
0x6c: {  	_ =	shalt  }
0x6d: {  	_ =	shalt  }
0x6e: {  	_ =	shalt  }
0x6f: {  	_ =	shalt  }
0x70: {  	_ =	shalt  }
0x71: {  	_ =	shalt  }
0x72: {  	_ =	shalt  }
0x73: {  	_ =	shalt  }
0x74: {  	_ =	shalt  }
0x75: {  	_ =	shalt  }
0x76: {  	_ =	shalt  }
0x77: {  	_ =	shalt  }
0x78: {  	_ =	shalt  }
0x79: {  	_ =	shalt  }
0x7a: {  	_ =	shalt  }
0x7b: {  	_ =	shalt  }
0x7c: {  	_ =	shalt  }
0x7d: {  	_ =	shalt  }
0x7e: {  	_ =	shalt  }
0x7f: {  	_ =	shalt  }
0x80: {  	_ =	shalt  }
0x81: {  	_ =	shalt  }
0x82: {  	_ =	shalt  }
0x83: {  	_ =	shalt  }
0x84: {  	_ =	shalt  }
0x85: {  	_ =	shalt  }
0x86: {  	_ =	shalt  }
0x87: {  	_ =	shalt  }
.Lfunc_end0:
.L_simem_size_0:
called_computation_lowered:
.L_overlay_start_0:
0x88: {  	s2 =	sld [smem:$0x3FD9]  }
0x89: {  	s3 =	sld [smem:$0x3FFE];
	_ =	sdelay $0x1  }
0x8a: {  	s1 =	srdreg.scid  }
0x8b: {  	s0 =	sand.u32 $0x1, s1  }
0x8c: {  	s16 =	sshll.u32 s0, $0xA;
	s2 =	sadd.s32 s3, s2  }
0x8d: {  	s2 =	sadd.s32 s2, s16  }
0x8e: {  	[smem:$0x3FB7] =	sst s2  }
0x8f: {  	_ = 	snop  }
0x90: {  	(tm) =	ssettm $0x1  }
0x91: {  	s17 =	sld [smem:$0x3FFB];
	_ =	sdelay $0x3  }
0x92: {  	_ =	strace s17  }
0x93: {  	s2 =	sld [smem:$0x3FFC];
	_ =	sdelay $0x3  }
0x94: {  	_ =	strace s2  }
0x95: {  	s2 =	sld [smem:$0x3FFD];
	_ =	sdelay $0x3  }
0x96: {  	_ =	strace s2  }
0x97: {  	_ =	strace $0x8FFFFFFF  }
0x98: {  	s18 =	sld [smem:$0x3FDB];
	_ =	sdelay $0x1  }
0x99: {  	s19 =	simm.s32 $_scs_section_size  }
0x9a: {  	s4 =	simm.s32 $_size__tile_overlayer_lowered;
	s5 =	simm.s32 $_tile_overlayer_lowered  }
0x9b: {  	s22 =	simm.s32 $0x1BFF;
	s21 =	sshll.u32 s5, $0x1;
	s2 =	sadd.s32 s19, s18  }
0x9c: {  	s6 =	simm.s32 $0x0;
	s20 =	sshll.u32 s4, $0x1;
	s4 =	sadd.s32 s21, s2  }
0x9d: {  	[timem:s6], [sflag:s22] =	dma.local [hbm:s4], s20  }
0x9e: {  	_ =	swait.ge [sflag:s22], s20  }
0x9f: {  	s3 =	ssub.s32 $0x0, s20;
	[sflag:s22] =	ssyncset.done $0x0  }
0xa0: {  	[sflag:s22] =	ssyncadd.s32 s3;
	_ =	sdelay $0x1  }
0xa1: {  	s23 =	simm.s32 $0x1B8B  }
0xa2: {  	_ =	swait.ge [sflag:s23], $0x1  }
0xa3: {  	[sflag:s23] =	ssyncset.done $0x0  }
0xa4: {  	s25 =	simm.s32 $0x1B8E;
	s24 =	sld [smem:$0x3FFE];
	[sflag:s23] =	ssyncadd.s32 $0xFFFFFFFF  }
0xa5: {  	s26 =	simm.s32 $execute0_lowered;
	[smem:$0x3FD2] =	sst s25  }
0xa6: {  	s4 =	sshll.u32 s26, $0x1;
	_ =	strace $0x80000046;
	[dreg:$0x1] =	wrdreg $0xFFFFFFFF  }
0xa7: {  	s28 =	simm.s32 $_size_execute0_lowered;
	s2 =	sadd.s32 s2, s4;
	[dreg:$0x0] =	wrdreg $0x0  }
0xa8: {  	s4 =	sshll.u32 s28, $0x1;
	[dreg:$0x2] =	wrdreg s2  }
0xa9: {  	[dreg:$0x3] =	wrdreg s4  }
0xaa: {  	[dreg:$0x4] =	wrdreg $0xC0  }
0xab: {  	_ =	task [dreg:s6], $0x5FFFF  }
0xac: {  	[dreg:$0x1] =	wrdreg $0xFFFFFFFF  }
0xad: {  	[dreg:$0x0] =	wrdreg $0x60  }
0xae: {  	[dreg:$0x2] =	wrdreg s24  }
0xaf: {  	[dreg:$0x3] =	wrdreg $0x9E000  }
0xb0: {  	[dreg:$0x4] =	wrdreg $0x0  }
0xb1: {  	[dreg:$0x5] =	wrdreg $0x9  }
0xb2: {  	_ =	task.clear_ibuf [dreg:s6], $0x6FFFF;
	_ =	strace $0x90000046  }
0xb3: {  	s29 =	simm.s32 $0x9;
	_ =	strace $0x80000048  }
0xb4: {  	_ =	swait.ge [sflag:s29], $0x1  }
0xb5: {  	[sflag:s29] =	ssyncadd.s32 $0xFFFFFFFF  }
0xb6: {  	_ =	strace $0x90000048  }
0xb7: {  	_ =	sfence  }
0xb8: {  	s30 =	sld [smem:$0x0];
	_ =	sdelay $0x2  }
0xb9: {  	s31 =	sshll.u32 s1, $0xD;
	s1 =	sshrl.u32 s1, $0x2  }
0xba: {  	s3 =	sand.u32 $0x4000, s31;
	s1 =	sadd.s32 s1, s30  }
0xbb: {  	s0 =	sor.u32 s3, s0;
	s1 =	sshll.u32 s1, $0x11  }
0xbc: {  	s0 =	sor.u32 s1, s0  }
0xbd: {  	s0 =	sadd.s32 $0x8F2B, s0  }
0xbe: {  	[sflag:s0] =	ssyncadd.remote.s32 $0x1  }
0xbf: {  	_ =	sfence.sel $0xFFFF  }
0xc0: {  	[dreg:$0x0] =	wrdreg $0xFFFFFFFF;
	(pc) =	sbr.abs _section_cstart, $3  }
0xc1: {  	[dreg:$0x1] =	wrdreg $0xFFFFFFFF  }
0xc2: {  	_ =	task.clear_ibuf [dreg:s6], $0x2FFFF;
	_ =	strace $0x9FFFFFFF  }
0xc3: {  	(tm) =	ssettm $0x7FFFFFFF  }
tec
execute0_lowered:
.L_overlay_start_1:
0x0: {  	(tag) =	ssettag $0x1  }
0x1: {  	s8 =	rddreg [dreg:$0x0]  }
0x2: {  	s0 =	srdreg.scid;
	s2 =	rddreg [dreg:$0x1]  }
0x3: {  	s17 =	stileid.u32;
	s3 =	rddreg [dreg:$0x2]  }
0x4: {  	s4 =	simm.s32 $0x0;
	s13 =	simm.s32 $0x13C00;
	s14 =	simm.s32 $0x3  }
0x5: {  	s15 =	simm.s32 $0x16310;
	s22 =	simm.s32 $0x2;
	s23 =	simm.s32 $0xC8  }
0x6: {  	s25 =	simm.s32 $0x1;
	s29 =	simm.s32 $0x0;
	s0 =	sand.u32 $0x1, s0  }
0x7: {  	s1 =	sshll.u32 s17, $0x1;
	s9 =	smul.u32 $0x9E00, s17;
	[smem:$0x7FF] =	sst s4  }
0x8: {  	s16 =	sadd.s32 $0x94200, s2;
	p0 =	seq.s32 s17, $0xF;
	s1 =	sor.u32 s0, s1  }
0x9: {  	s5 =	smul.u32 $0x9E000, s0;
	_ =	strace $0x80000047;
	s0 =	ssub.s32 $0x2, s0  }
0xa: {  	s16 =	sshrl.u32 @p0 s16, $0x3;
	s19 =	sshll.u32 @!p0 s17, $0x6;
	s1 =	smul.u32 $0x4E2, s1  }
0xb: {  	s6 =	sshrl.u32 s9, $0x3;
	s30 =	sshrl.u32 s0, $0x1;
	s19 =	sor.u32 @!p0 $0x1C02, s19  }
0xc: {  	s5 =	sadd.s32 s9, s5;
	s10 =	sadd.s32 s6, s8;
	s0 =	ssub.s32 s0, s30  }
0xd: {  	s1 =	sadd.s32 s1, s8;
	s5 =	sshrl.u32 s5, $0x3;
	s7 =	sadd.s32 $0x15A00, s10  }
0xe: {  	s10 =	sadd.s32 $0x29400, s10;
	s12 =	smax.u32 s0, $0x1;
	s0 =	sshll.u32 @p0 s17, $0x6  }
0xf: {  	s11 =	sadd.s32 s5, s8;
	s31 =	sadd.s32 $0xBC00, s1;
	s6 =	sadd.s32 $0x1E00, s1  }
0x10: {  	s1 =	sadd.s32 s9, s2;
	s8 =	sadd.s32 $0x28240, s8;
	s9 =	sadd.s32 s9, s3  }
0x11: {  	s17 =	sor.u32 @p0 $0x1C02, s0;
	[dreg:$0x4] =	wrdreg s31;
	s11 =	sadd.s32 $0x3D000, s11  }
0x12: {  	s18 =	sshrl.u32 @p0 s9, $0x3;
	s20 =	sshrl.u32 @!p0 s1, $0x3;
	s21 =	sshrl.u32 @!p0 s9, $0x3  }
.LBB2_1:
0x13: {  	s0 =	rddreg [dreg:$0x4]  }
0x14: {  	[tilespmem:s13], [sflag:$0x3] =	stream.linear.gather [hbm4b:s0+s4], $0x2710, $0x38;
	[tilespmem:$0x1EE20] =	vst v63  }
0x15: {  	_ =	swait.ge [sflag:s14], $0x2710  }
0x16: {  	[sflag:s14] =	ssyncset.done $0x0  }
0x17: {  	[sflag:s14] =	ssyncadd.s32 $0xFFFFD8F0  }
0x18: {  	[tilespmem:s15], [sflag:$0x3] =	stream.linear.gather [hbm4b:s6+s4], $0x2710, $0x38;
	[tilespmem:$0x1EE20] =	vst v63  }
0x19: {  	_ =	swait.ge [sflag:s14], $0x2710  }
0x1a: {  	[sflag:s14] =	ssyncset.done $0x0  }
0x1b: {  	s0 =	simm.s32 @p0 $0x1FC2;
	[sflag:s14] =	ssyncadd.s32 $0xFFFFD8F0  }
0x1c: {  	[spmem:s16], [sflag:s0] =	dma.local @p0 [hbm:s8], $0x1040  }
0x1d: {  	s0 =	simm.s32 @p0 $0x2  }
0x1e: {  	[spmem:s18], [sflag:s17] =	dma.local @p0 [hbm:s10], $0x13C0  }
0x1f: {  	_ =	swait.ge @p0 [sflag:s0], $0x1040  }
0x20: {  	[sflag:s0] =	ssyncset.done @p0 $0x0  }
0x21: {  	[sflag:s0] =	ssyncadd.s32 @p0 $0xFFFFEFC0;
	s0 =	simm.s32 @!p0 $0x2  }
0x22: {  	[spmem:s20], [sflag:s19] =	dma.local @!p0 [hbm:s7], $0x13C0  }
0x23: {  	[spmem:s21], [sflag:s19] =	dma.local @!p0 [hbm:s10], $0x13C0  }
0x24: {  	_ =	swait.ge @!p0 [sflag:s0], $0x13C0  }
0x25: {  	[sflag:s0] =	ssyncset.done @!p0 $0x0  }
0x26: {  	s28 =	sand.u32 $0x1, s4;
	[sflag:s0] =	ssyncadd.s32 @!p0 $0xFFFFEC40  }
0x27: {  	s1 =	sxor.u32 $0x1, s28;
	_ =	swait.ge [sflag:s22], $0x13C0  }
0x28: {  	s1 =	smul.u32 $0xC800, s1;
	[sflag:s22] =	ssyncset.done $0x0  }
0x29: {  	s5 =	simm.s32 $0x18A20;
	[sflag:s22] =	ssyncadd.s32 $0xFFFFEC40  }
0x2a: {  	s24 =	simm.s32 $0x13CC8;
	s1 =	sshrl.u32 s1, $0x2;
	[bflag:$0x0] =	sbarrier.arrive $0xFFFF  }
0x2b: {  	[tilespmem:s5], [sflag:$0x1] =	stream.indirect.gather [spmem:s2], $0x40, s13, s23, $0xb8;
	[tilespmem:$0x1EE20] =	vst v63  }
0x2c: {  	s26 =	simm.s32 $0x1;
	s1 =	sadd.s32 $0x18A20, s1;
	s0 =	smul.u32 $0xC800, s28  }
0x2d: {  	[tilespmem:s1], [sflag:$0x1] =	stream.indirect.gather [spmem:s2], $0x40, s24, s23, $0xb8;
	[tilespmem:$0x1EE20] =	vst v63  }
0x2e: {  	s0 =	sshrl.u32 s0, $0x2;
	s1 =	sand.u32 $0x1, s26;
	_ =	swait.ge [sflag:s25], $0x3200  }
0x2f: {  	s28 =	sxor.u32 $0x1, s1;
	s1 =	smul.u32 $0xC800, s1;
	[sflag:s25] =	ssyncset.done $0x0  }
0x30: {  	s0 =	sadd.s32 $0x18A20, s0;
	s24 =	smul.u32 $0xC800, s28;
	[sflag:s25] =	ssyncadd.s32 $0xFFFFCE00  }
0x31: {  	[spmem:s3] =	stream.indirect.scatter.add.f32 [tilespmem:s0], [sflag:$0x3], $0x40, s15, s23, $0xb8;
	[tilespmem:$0x1EE20] =	vst v63  }
0x32: {  	s31 =	simm.s32 $0x13D90;
	s30 =	simm.s32 $0x163D8;
	s0 =	simm.s32 $0x2  }
.LBB2_2:
0x33: {  	s24 =	sshrl.u32 s24, $0x2;
	s1 =	sshrl.u32 s1, $0x2  }
0x34: {  	_ =	swait.ge [sflag:s14], $0x3200;
	s26 =	smov.u32 s0;
	s28 =	smov.u32 s30  }
0x35: {  	s5 =	sadd.s32 $0x1, s0;
	s24 =	sadd.s32 $0x18A20, s24;
	[sflag:s14] =	ssyncset.done $0x0  }
0x36: {  	p1 =	sne.s32 s0, $0x30;
	[sflag:s14] =	ssyncadd.s32 $0xFFFFCE00  }
0x37: {  	[tilespmem:s24], [sflag:$0x1] =	stream.indirect.gather [spmem:s2], $0x40, s31, s23, $0xb8;
	[tilespmem:$0x1EE20] =	vst v63  }
.Ltmp0:
0x38: {  	s30 =	sadd.s32 $0xC8, s30;
	s31 =	sadd.s32 $0xC8, s31;
	(pc) =	sbr.rel @p1 .LBB2_2-.Ltmp0, $4  }
0x39: {  	s0 =	sand.u32 $0x1, s26;
	s26 =	sadd.s32 $0x18A20, s1;
	_ =	swait.ge [sflag:s25], $0x3200  }
0x3a: {  	s1 =	smul.u32 $0xC800, s0;
	s24 =	sxor.u32 $0x1, s0;
	[sflag:s25] =	ssyncset.done $0x0  }
0x3b: {  	s0 =	smov.u32 s5;
	s24 =	smul.u32 $0xC800, s24;
	[sflag:s25] =	ssyncadd.s32 $0xFFFFCE00  }
0x3c: {  	[spmem:s3] =	stream.indirect.scatter.add.f32 [tilespmem:s26], [sflag:$0x3], $0x40, s28, s23, $0xb8;
	[tilespmem:$0x1EE20] =	vst v63  }
0x3d: {  	_ =	swait.ge [sflag:s14], $0x3200  }
0x3e: {  	s0 =	sshrl.u32 s24, $0x2;
	[sflag:s14] =	ssyncset.done $0x0  }
0x3f: {  	s0 =	sadd.s32 $0x18A20, s0;
	[sflag:s14] =	ssyncadd.s32 $0xFFFFCE00  }
0x40: {  	[tilespmem:s0], [sflag:$0x1] =	stream.indirect.gather [spmem:s2], $0x40, s31, s23, $0xb8;
	[tilespmem:$0x1EE20] =	vst v63  }
0x41: {  	_ =	swait.ge [sflag:s25], $0x3200  }
0x42: {  	s24 =	sshrl.u32 s1, $0x2;
	[sflag:s25] =	ssyncset.done $0x0  }
0x43: {  	s0 =	sadd.s32 $0x18A20, s24;
	[sflag:s25] =	ssyncadd.s32 $0xFFFFCE00  }
0x44: {  	[spmem:s3] =	stream.indirect.scatter.add.f32 [tilespmem:s0], [sflag:$0x3], $0x40, s30, s23, $0xb8;
	[tilespmem:$0x1EE20] =	vst v63  }
0x45: {  	_ =	swait.ge [sflag:s14], $0x3200  }
0x46: {  	[sflag:s14] =	ssyncset.done $0x0  }
0x47: {  	[sflag:s14] =	ssyncadd.s32 $0xFFFFCE00  }
0x48: {  	_ =	swait.ge [sflag:s25], $0x3200  }
0x49: {  	[sflag:s25] =	ssyncset.done $0x0  }
0x4a: {  	s26 =	simm.s32 $0x18958;
	s28 =	simm.s32 $0x1BC20;
	[sflag:s25] =	ssyncadd.s32 $0xFFFFCE00  }
0x4b: {  	[spmem:s3] =	stream.indirect.scatter.add.f32 [tilespmem:s28], [sflag:$0x3], $0x40, s26, s23, $0xb8;
	[tilespmem:$0x1EE20] =	vst v63  }
0x4c: {  	s29 =	sadd.s32 $0x1, s29;
	_ =	swait.ge [sflag:s14], $0x3200  }
0x4d: {  	p1 =	sne.s32 s29, s12;
	s30 =	stileid.u32;
	[sflag:s14] =	ssyncset.done $0x0  }
0x4e: {  	s31 =	sshrl.u32 s9, $0x3;
	s0 =	sshll.u32 s30, $0x6;
	[sflag:s14] =	ssyncadd.s32 $0xFFFFCE00  }
.Ltmp1:
0x4f: {  	s0 =	sor.u32 $0x1C03, s0;
	[bflag:$0x0] =	sbarrier.arrive $0xFFFF;
	(pc) =	sbr.rel @p1 .LBB2_1-.Ltmp1, $4  }
0x50: {  	[hbm:s11], [sflag:s0] =	dma.local [spmem:s31], $0x13C0  }
0x51: {  	_ =	swait.ge [sflag:s14], $0x13C0  }
0x52: {  	[sflag:s14] =	ssyncset.done $0x0  }
0x53: {  	[sflag:s14] =	ssyncadd.s32 $0xFFFFEC40  }
0x54: {  	_ =	sfence.sel $0x180000  }
0x55: {  	[bflag:$0x0] =	sbarrier.arrive $0xFFFF  }
0x56: {  	_ =	strace $0x90000047  }
0x57: {  	s0 =	stileid.u32;
	[bflag:$0x2] =	sbarrier.arrive $0xFFFF  }
0x58: {  	p0 =	sne.s32 s0, $0x0;
	s0 =	rddreg [dreg:$0x3]  }
0x59: {  	s0 =	sadd.s32 @!p0 $0x100000, s0  }
0x5a: {  	[sflag:s0] =	ssyncadd.tile.s32 @!p0 $0x1;
	_ =	shalt  }
.Lfunc_end2:
_tile_overlayer_lowered:
.L_overlay_start_2:
0x5b: {  	(tag) =	ssettag $0x2  }
0x5c: {  	s0 =	rddreg [dreg:$0x0];
	s2 =	stileid.u32  }
0x5d: {  	s1 =	rddreg [dreg:$0x1];
	p0 =	sne.s32 s2, $0x0  }
0x5e: {  	s3 =	rddreg [dreg:$0x2];
	[bflag:$0x3] =	sbarrier.arrive $0xFFFF;
	s2 =	simm.s32 @!p0 $0x1C03  }
0x5f: {  	[timem:s3], [sflag:s2] =	dma.local @!p0 [hbm:s0], s1  }
0x60: {  	s0 =	simm.s32 @!p0 $0x3  }
0x61: {  	_ =	swait.ge @!p0 [sflag:s0], s1  }
0x62: {  	s1 =	ssub.s32 @!p0 $0x0, s1;
	[sflag:s0] =	ssyncset.done @!p0 $0x0  }
0x63: {  	[sflag:s0] =	ssyncadd.s32 @!p0 s1  }
0x64: {  	[bflag:$0x3] =	sbarrier.arrive $0xFFFF  }
0x65: {  	_ =	shalt  }

</sc_bundles>
